<compile_context>
chip_gen: v7x
topology: tpu7x:2x2x1
jax: 0.10.2.dev20260603
libtpu: 0.0.44.dev20260713+nightly
codegen_flags: <defaults>
</compile_context>

<pallas_src>
import functools

import jax
import jax.numpy as jnp
from jax import lax
from jax.experimental import pallas as pl
from jax.experimental.pallas import tpu as pltpu
from jax.experimental.pallas import tpu_sc as plsc

N = 10000
E = 160000
D = 256
HALF = 128
BN_EPS = 1e-5

NC = 2
NS = 16
EPT = E // NS
CHUNK = 40
NCH = EPT // CHUNK
NP = 10240
RPT = NP // NS
K = 5
NG = NCH // K

_sc_mesh = plsc.VectorSubcoreMesh(core_axis_name="c", subcore_axis_name="s")


@functools.partial(
    pl.kernel,
    mesh=_sc_mesh,
    out_type=[
        jax.ShapeDtypeStruct((NP, HALF), jnp.float32),
        jax.ShapeDtypeStruct((NP, HALF), jnp.float32),
    ],
    scratch_types=[
        pltpu.VMEM((2, K, CHUNK), jnp.int32),
        pltpu.VMEM((2, K, CHUNK), jnp.int32),
        pltpu.VMEM((K, CHUNK, HALF), jnp.float32),
        pltpu.VMEM_SHARED((NP, HALF), jnp.float32),
        pltpu.SemaphoreType.DMA,
        pltpu.SemaphoreType.DMA,
        pltpu.SemaphoreType.DMA,
        pltpu.SemaphoreType.DMA,
        pltpu.SemaphoreType.DMA,
        pltpu.SemaphoreType.DMA,
        pltpu.SemaphoreType.DMA,
        pltpu.SemaphoreType.DMA,
        pltpu.SemaphoreType.DMA,
        pltpu.SemaphoreType.DMA,
        pltpu.SemaphoreType.DMA,
        pltpu.SemaphoreType.DMA,
    ],
)
def _sc_agg(xr_hbm, gidx_hbm, didx_hbm, zeros_hbm, out_lo, out_hi,
            gidx_v, didx_v, rows_v, agg_sh,
            g0s, g1s, g2s, g3s, g4s, c0s, c1s, c2s, c3s, c4s, sig, sid):
    c = lax.axis_index("c")
    s = lax.axis_index("s")
    gsems = (g0s, g1s, g2s, g3s, g4s)
    ssems = (c0s, c1s, c2s, c3s, c4s)
    pltpu.sync_copy(gidx_hbm.at[c, s, 0], gidx_v.at[0])
    pltpu.sync_copy(didx_hbm.at[s, 0], didx_v.at[0])
    pltpu.sync_copy(zeros_hbm.at[pl.ds(s * RPT, RPT)],
                    agg_sh.at[pl.ds(s * RPT, RPT)])
    plsc.subcore_barrier()

    def scat_wait(k):
        pltpu.make_async_copy(rows_v.at[k],
                              agg_sh.at[didx_v.at[0, k]], ssems[k]).wait()

    def group(j, p):
        @pl.when(j > 0)
        def _():
            for k in range(K):
                scat_wait(k)
        gh = []
        for k in range(K):
            gh.append(pltpu.async_copy(
                xr_hbm.at[gidx_v.at[p, k]], rows_v.at[k], gsems[k]))
        jn = jnp.minimum(j + 1, NG - 1)
        hg = pltpu.async_copy(gidx_hbm.at[c, s, jn], gidx_v.at[1 - p], sig)
        hd = pltpu.async_copy(didx_hbm.at[s, jn], didx_v.at[1 - p], sid)
        for k in range(K):
            gh[k].wait()
            pltpu.async_copy(rows_v.at[k], agg_sh.at[didx_v.at[p, k]],
                             ssems[k], add=True)
        hg.wait()
        hd.wait()

    def body(m, carry):
        group(2 * m, 0)
        group(2 * m + 1, 1)
        return carry

    lax.fori_loop(0, NG // 2, body, 0)
    for k in range(K):
        scat_wait(k)
    plsc.subcore_barrier()

    @pl.when(c == 0)
    def _():
        pltpu.sync_copy(agg_sh.at[pl.ds(s * RPT, RPT)],
                        out_lo.at[pl.ds(s * RPT, RPT)])

    @pl.when(c == 1)
    def _():
        pltpu.sync_copy(agg_sh.at[pl.ds(s * RPT, RPT)],
                        out_hi.at[pl.ds(s * RPT, RPT)])


RB = 2000


def _tc_mlp_body(s0_ref, x_ref, alo_ref, ahi_ref, w1_ref, b1_ref,
                 w2_ref, b2_ref, o_ref):
    x = x_ref[...]
    agg = jnp.concatenate([alo_ref[...], ahi_ref[...]], axis=1)
    h = s0_ref[...] * x + agg
    h = jnp.dot(h, w1_ref[...], preferred_element_type=jnp.float32)
    h = jnp.maximum(h + b1_ref[...], 0.0)
    h = jnp.dot(h, w2_ref[...], preferred_element_type=jnp.float32)
    h = jnp.maximum(h + b2_ref[...], 0.0)
    o_ref[...] = h + x


def kernel(x, edge_index, eps, W1, b1, g1, be1, W2, b2, g2, be2):
    src = edge_index[0]
    dst = edge_index[1]
    g_lo = src * 2
    gidx = jnp.stack([g_lo, g_lo + 1]).reshape(NC, NS, NG, K, CHUNK)
    didx = dst.reshape(NS, NG, K, CHUNK)
    xr = x.reshape(2 * N, HALF)
    zeros = jnp.zeros((NP, HALF), jnp.float32)

    agg_lo, agg_hi = _sc_agg(xr, gidx, didx, zeros)
    return jnp.concatenate([agg_lo[:N], agg_hi[:N]], axis=1)

    inv = 1.0 / jnp.sqrt(jnp.float32(1.0) + BN_EPS)
    s1 = g1 * inv
    W1f = W1 * s1[None, :]
    b1f = (b1 * s1 + be1)[None, :]
    s2 = g2 * inv
    W2f = W2 * s2[None, :]
    b2f = (b2 * s2 + be2)[None, :]
    s0 = jnp.broadcast_to(1.0 + eps, (1, D)).astype(jnp.float32)

    out = pl.pallas_call(
        _tc_mlp_body,
        grid=(N // RB,),
        in_specs=[
            pl.BlockSpec((1, D), lambda i: (0, 0)),
            pl.BlockSpec((RB, D), lambda i: (i, 0)),
            pl.BlockSpec((RB, HALF), lambda i: (i, 0)),
            pl.BlockSpec((RB, HALF), lambda i: (i, 0)),
            pl.BlockSpec((D, D), lambda i: (0, 0)),
            pl.BlockSpec((1, D), lambda i: (0, 0)),
            pl.BlockSpec((D, D), lambda i: (0, 0)),
            pl.BlockSpec((1, D), lambda i: (0, 0)),
        ],
        out_specs=pl.BlockSpec((RB, D), lambda i: (i, 0)),
        out_shape=jax.ShapeDtypeStruct((N, D), jnp.float32),
    )(s0, x, agg_lo, agg_hi, W1f, b1f, W2f, b2f)
    return out

# --- scband reference (transcript-rebuilt; emitter-appended) ---
"""Pipeline reference for scband-ginlayer-25838523252949 (READ-ONLY COPY).

The authoritative reference and input builder live on the scoring server;
editing this copy changes nothing except your own understanding.
"""

import jax, jax.numpy as jnp
import numpy as np

N = 10000
E = 160000
D = 256
H = 256
BN_EPS = 1e-5


def setup_inputs(seed: int = 0) -> dict:
    key = jax.random.key(seed)
    ks = jax.random.split(key, 12)
    x = jax.random.normal(ks[0], (N, D), dtype=jnp.float32)
    edge_index = jax.random.randint(ks[1], (2, E), 0, N, dtype=jnp.int32)
    # GINConv learnable epsilon (train_eps=True, init 0.0)
    eps = jnp.zeros((), dtype=jnp.float32)
    # MLP: Linear(D,H) -> BN(H) -> ReLU -> Dropout -> Linear(H,H) -> BN(H) -> ReLU
    W1 = jax.random.normal(ks[2], (D, H), dtype=jnp.float32) * (1.0 / np.sqrt(D))
    b1 = jnp.zeros((H,), dtype=jnp.float32)
    g1 = jnp.ones((H,), dtype=jnp.float32)
    be1 = jnp.zeros((H,), dtype=jnp.float32)
    W2 = jax.random.normal(ks[3], (H, H), dtype=jnp.float32) * (1.0 / np.sqrt(H))
    b2 = jnp.zeros((H,), dtype=jnp.float32)
    g2 = jnp.ones((H,), dtype=jnp.float32)
    be2 = jnp.zeros((H,), dtype=jnp.float32)
    return {"x": x, "edge_index": edge_index, "eps": eps,
            "W1": W1, "b1": b1, "g1": g1, "be1": be1,
            "W2": W2, "b2": b2, "g2": g2, "be2": be2}


def reference(x, edge_index, eps, W1, b1, g1, be1, W2, b2, g2, be2):
    # GINConv: out = MLP((1 + eps) * x + sum_{j in N(i)} x_j)
    src = edge_index[0]
    dst = edge_index[1]
    msgs = jnp.take(x, src, axis=0)                      # gather  [E, D]
    agg = jax.ops.segment_sum(msgs, dst, num_segments=N)  # scatter-add [N, D]
    h = (1.0 + eps) * x + agg
    # MLP layer 1: Linear -> BatchNorm (eval: running_mean=0, running_var=1) -> ReLU
    h = h @ W1 + b1
    h = (h - 0.0) / jnp.sqrt(1.0 + BN_EPS) * g1 + be1
    h = jax.nn.relu(h)
    # Dropout is identity in eval mode
    # MLP layer 2
    h = h @ W2 + b2
    h = (h - 0.0) / jnp.sqrt(1.0 + BN_EPS) * g2 + be2
    h = jax.nn.relu(h)
    # residual (input_dim == hidden_dim -> use_residual=True)
    out = h + x
    # final dropout identity in eval mode
    return out

if __name__ == "__main__":
    import jax
    _d = setup_inputs()
    print(jax.jit(kernel)(*tuple(_d.values())))

</pallas_src>

<mosaic_0001>
#map = affine_map<(d0, d1) -> (0, 0)>
#map1 = affine_map<(d0, d1) -> (0, 0, 0, 0, 0)>
#map2 = affine_map<(d0, d1) -> (0, 0, 0, 0)>
module attributes {stable_mosaic.version = 14 : i64} {
  func.func @_sc_agg(%arg0: i32, %arg1: i32, %arg2: memref<20000x128xf32, #tpu.memory_space<hbm>>, %arg3: memref<2x16x50x5x40xi32, #tpu.memory_space<hbm>>, %arg4: memref<16x50x5x40xi32, #tpu.memory_space<hbm>>, %arg5: memref<10240x128xf32, #tpu.memory_space<hbm>>, %arg6: memref<10240x128xf32, #tpu.memory_space<hbm>>, %arg7: memref<10240x128xf32, #tpu.memory_space<hbm>>, %arg8: memref<2x5x40xi32, #tpu.memory_space<vmem>>, %arg9: memref<2x5x40xi32, #tpu.memory_space<vmem>>, %arg10: memref<5x40x128xf32, #tpu.memory_space<vmem>>, %arg11: memref<10240x128xf32, #tpu.memory_space<vmem_shared>>, %arg12: memref<!tpu.dma_semaphore, #tpu.memory_space<semaphore_mem>>, %arg13: memref<!tpu.dma_semaphore, #tpu.memory_space<semaphore_mem>>, %arg14: memref<!tpu.dma_semaphore, #tpu.memory_space<semaphore_mem>>, %arg15: memref<!tpu.dma_semaphore, #tpu.memory_space<semaphore_mem>>, %arg16: memref<!tpu.dma_semaphore, #tpu.memory_space<semaphore_mem>>, %arg17: memref<!tpu.dma_semaphore, #tpu.memory_space<semaphore_mem>>, %arg18: memref<!tpu.dma_semaphore, #tpu.memory_space<semaphore_mem>>, %arg19: memref<!tpu.dma_semaphore, #tpu.memory_space<semaphore_mem>>, %arg20: memref<!tpu.dma_semaphore, #tpu.memory_space<semaphore_mem>>, %arg21: memref<!tpu.dma_semaphore, #tpu.memory_space<semaphore_mem>>, %arg22: memref<!tpu.dma_semaphore, #tpu.memory_space<semaphore_mem>>, %arg23: memref<!tpu.dma_semaphore, #tpu.memory_space<semaphore_mem>>) attributes {dimension_semantics = [#tpu.dimension_semantics<core_parallel>, #tpu.dimension_semantics<subcore_parallel>], iteration_bounds = array<i64: 2, 16>, scalar_prefetch = 0 : i64, scratch_operands = 16 : i64, tpu.core_type = #tpu.core_type<sc_vector_subcore>, window_params = [{transform_indices = #map}, {transform_indices = #map1}, {transform_indices = #map2}, {transform_indices = #map}, {transform_indices = #map}, {transform_indices = #map}]} {
    %run_scoped3A = arith.constant 0 : i32
    %run_scoped3A_0 = arith.constant 0 : i32
    "tpu.region"() ({
      %run_scoped3A_83 = tpu.sem_alloc : memref<!tpu.dma_semaphore, #tpu.memory_space<semaphore_mem>>
      %dma_start3A = arith.constant 0 : i32
      %dma_start3A_84 = arith.constant 0 : i32
      %dma_start3A_85 = tpu.memref_slice %arg8[%run_scoped3A_0, %dma_start3A, %dma_start3A_84] : memref<2x5x40xi32, #tpu.memory_space<vmem>> -> memref<1x5x40xi32, #tpu.memory_space<vmem>>
      %dma_start3A_86 = tpu.memref_squeeze %dma_start3A_85 : memref<1x5x40xi32, #tpu.memory_space<vmem>> -> memref<5x40xi32, #tpu.memory_space<vmem>>
      %dma_start3A_87 = arith.constant 0 : i32
      %dma_start3A_88 = arith.constant 0 : i32
      %dma_start3A_89 = tpu.memref_slice %arg3[%arg0, %arg1, %run_scoped3A, %dma_start3A_87, %dma_start3A_88] : memref<2x16x50x5x40xi32, #tpu.memory_space<hbm>> -> memref<1x1x1x5x40xi32, #tpu.memory_space<hbm>>
      %dma_start3A_90 = tpu.memref_squeeze %dma_start3A_89 : memref<1x1x1x5x40xi32, #tpu.memory_space<hbm>> -> memref<5x40xi32, #tpu.memory_space<hbm>>
      %dma_start3A_91 = arith.constant 0 : i32
      %dma_start3A_92 = arith.constant 0 : i32
      %dma_start3A_93 = tpu.memref_slice %arg8[%run_scoped3A_0, %dma_start3A_91, %dma_start3A_92] : memref<2x5x40xi32, #tpu.memory_space<vmem>> -> memref<1x5x40xi32, #tpu.memory_space<vmem>>
      %dma_start3A_94 = tpu.memref_squeeze %dma_start3A_93 : memref<1x5x40xi32, #tpu.memory_space<vmem>> -> memref<5x40xi32, #tpu.memory_space<vmem>>
      %dma_start3A_95 = arith.constant 0 : i32
      %dma_start3A_96 = arith.constant 0 : i32
      %dma_start3A_97 = tpu.memref_slice %arg3[%arg0, %arg1, %run_scoped3A, %dma_start3A_95, %dma_start3A_96] : memref<2x16x50x5x40xi32, #tpu.memory_space<hbm>> -> memref<1x1x1x5x40xi32, #tpu.memory_space<hbm>>
      %dma_start3A_98 = tpu.memref_squeeze %dma_start3A_97 : memref<1x1x1x5x40xi32, #tpu.memory_space<hbm>> -> memref<5x40xi32, #tpu.memory_space<hbm>>
      tpu.enqueue_dma source(%dma_start3A_98 : memref<5x40xi32, #tpu.memory_space<hbm>>) target(%dma_start3A_94 : memref<5x40xi32, #tpu.memory_space<vmem>>) target_semaphore(%run_scoped3A_83 : memref<!tpu.dma_semaphore, #tpu.memory_space<semaphore_mem>>)
      %dma_wait3A_99 = arith.constant 0 : i32
      %dma_wait3A_100 = arith.constant 0 : i32
      %dma_wait3A_101 = tpu.memref_slice %arg8[%run_scoped3A_0, %dma_wait3A_99, %dma_wait3A_100] : memref<2x5x40xi32, #tpu.memory_space<vmem>> -> memref<1x5x40xi32, #tpu.memory_space<vmem>>
      %dma_wait3A_102 = tpu.memref_squeeze %dma_wait3A_101 : memref<1x5x40xi32, #tpu.memory_space<vmem>> -> memref<5x40xi32, #tpu.memory_space<vmem>>
      %dma_wait3A_103 = arith.constant 0 : i32
      %dma_wait3A_104 = arith.constant 0 : i32
      %dma_wait3A_105 = tpu.memref_slice %arg3[%arg0, %arg1, %run_scoped3A, %dma_wait3A_103, %dma_wait3A_104] : memref<2x16x50x5x40xi32, #tpu.memory_space<hbm>> -> memref<1x1x1x5x40xi32, #tpu.memory_space<hbm>>
      %dma_wait3A_106 = tpu.memref_squeeze %dma_wait3A_105 : memref<1x1x1x5x40xi32, #tpu.memory_space<hbm>> -> memref<5x40xi32, #tpu.memory_space<hbm>>
      %dma_wait3A_107 = arith.constant 0 : i32
      %dma_wait3A_108 = arith.constant 0 : i32
      %dma_wait3A_109 = tpu.memref_slice %arg8[%run_scoped3A_0, %dma_wait3A_107, %dma_wait3A_108] : memref<2x5x40xi32, #tpu.memory_space<vmem>> -> memref<1x5x40xi32, #tpu.memory_space<vmem>>
      %dma_wait3A_110 = tpu.memref_squeeze %dma_wait3A_109 : memref<1x5x40xi32, #tpu.memory_space<vmem>> -> memref<5x40xi32, #tpu.memory_space<vmem>>
      %dma_wait3A_111 = arith.constant 0 : i32
      %dma_wait3A_112 = arith.constant 0 : i32
      %dma_wait3A_113 = tpu.memref_slice %arg3[%arg0, %arg1, %run_scoped3A, %dma_wait3A_111, %dma_wait3A_112] : memref<2x16x50x5x40xi32, #tpu.memory_space<hbm>> -> memref<1x1x1x5x40xi32, #tpu.memory_space<hbm>>
      %dma_wait3A_114 = tpu.memref_squeeze %dma_wait3A_113 : memref<1x1x1x5x40xi32, #tpu.memory_space<hbm>> -> memref<5x40xi32, #tpu.memory_space<hbm>>
      tpu.wait_dma2 semaphore(%run_scoped3A_83 : memref<!tpu.dma_semaphore, #tpu.memory_space<semaphore_mem>>) src(%dma_wait3A_114 : memref<5x40xi32, #tpu.memory_space<hbm>>) dst(%dma_wait3A_110 : memref<5x40xi32, #tpu.memory_space<vmem>>)
      tpu.yield
    }) : () -> ()
    %run_scoped3A_1 = arith.constant 0 : i32
    %run_scoped3A_2 = arith.constant 0 : i32
    "tpu.region"() ({
      %run_scoped3A_83 = tpu.sem_alloc : memref<!tpu.dma_semaphore, #tpu.memory_space<semaphore_mem>>
      %dma_start3A = arith.constant 0 : i32
      %dma_start3A_84 = arith.constant 0 : i32
      %dma_start3A_85 = tpu.memref_slice %arg9[%run_scoped3A_2, %dma_start3A, %dma_start3A_84] : memref<2x5x40xi32, #tpu.memory_space<vmem>> -> memref<1x5x40xi32, #tpu.memory_space<vmem>>
      %dma_start3A_86 = tpu.memref_squeeze %dma_start3A_85 : memref<1x5x40xi32, #tpu.memory_space<vmem>> -> memref<5x40xi32, #tpu.memory_space<vmem>>
      %dma_start3A_87 = arith.constant 0 : i32
      %dma_start3A_88 = arith.constant 0 : i32
      %dma_start3A_89 = tpu.memref_slice %arg4[%arg1, %run_scoped3A_1, %dma_start3A_87, %dma_start3A_88] : memref<16x50x5x40xi32, #tpu.memory_space<hbm>> -> memref<1x1x5x40xi32, #tpu.memory_space<hbm>>
      %dma_start3A_90 = tpu.memref_squeeze %dma_start3A_89 : memref<1x1x5x40xi32, #tpu.memory_space<hbm>> -> memref<5x40xi32, #tpu.memory_space<hbm>>
      %dma_start3A_91 = arith.constant 0 : i32
      %dma_start3A_92 = arith.constant 0 : i32
      %dma_start3A_93 = tpu.memref_slice %arg9[%run_scoped3A_2, %dma_start3A_91, %dma_start3A_92] : memref<2x5x40xi32, #tpu.memory_space<vmem>> -> memref<1x5x40xi32, #tpu.memory_space<vmem>>
      %dma_start3A_94 = tpu.memref_squeeze %dma_start3A_93 : memref<1x5x40xi32, #tpu.memory_space<vmem>> -> memref<5x40xi32, #tpu.memory_space<vmem>>
      %dma_start3A_95 = arith.constant 0 : i32
      %dma_start3A_96 = arith.constant 0 : i32
      %dma_start3A_97 = tpu.memref_slice %arg4[%arg1, %run_scoped3A_1, %dma_start3A_95, %dma_start3A_96] : memref<16x50x5x40xi32, #tpu.memory_space<hbm>> -> memref<1x1x5x40xi32, #tpu.memory_space<hbm>>
      %dma_start3A_98 = tpu.memref_squeeze %dma_start3A_97 : memref<1x1x5x40xi32, #tpu.memory_space<hbm>> -> memref<5x40xi32, #tpu.memory_space<hbm>>
      tpu.enqueue_dma source(%dma_start3A_98 : memref<5x40xi32, #tpu.memory_space<hbm>>) target(%dma_start3A_94 : memref<5x40xi32, #tpu.memory_space<vmem>>) target_semaphore(%run_scoped3A_83 : memref<!tpu.dma_semaphore, #tpu.memory_space<semaphore_mem>>)
      %dma_wait3A_99 = arith.constant 0 : i32
      %dma_wait3A_100 = arith.constant 0 : i32
      %dma_wait3A_101 = tpu.memref_slice %arg9[%run_scoped3A_2, %dma_wait3A_99, %dma_wait3A_100] : memref<2x5x40xi32, #tpu.memory_space<vmem>> -> memref<1x5x40xi32, #tpu.memory_space<vmem>>
      %dma_wait3A_102 = tpu.memref_squeeze %dma_wait3A_101 : memref<1x5x40xi32, #tpu.memory_space<vmem>> -> memref<5x40xi32, #tpu.memory_space<vmem>>
      %dma_wait3A_103 = arith.constant 0 : i32
      %dma_wait3A_104 = arith.constant 0 : i32
      %dma_wait3A_105 = tpu.memref_slice %arg4[%arg1, %run_scoped3A_1, %dma_wait3A_103, %dma_wait3A_104] : memref<16x50x5x40xi32, #tpu.memory_space<hbm>> -> memref<1x1x5x40xi32, #tpu.memory_space<hbm>>
      %dma_wait3A_106 = tpu.memref_squeeze %dma_wait3A_105 : memref<1x1x5x40xi32, #tpu.memory_space<hbm>> -> memref<5x40xi32, #tpu.memory_space<hbm>>
      %dma_wait3A_107 = arith.constant 0 : i32
      %dma_wait3A_108 = arith.constant 0 : i32
      %dma_wait3A_109 = tpu.memref_slice %arg9[%run_scoped3A_2, %dma_wait3A_107, %dma_wait3A_108] : memref<2x5x40xi32, #tpu.memory_space<vmem>> -> memref<1x5x40xi32, #tpu.memory_space<vmem>>
      %dma_wait3A_110 = tpu.memref_squeeze %dma_wait3A_109 : memref<1x5x40xi32, #tpu.memory_space<vmem>> -> memref<5x40xi32, #tpu.memory_space<vmem>>
      %dma_wait3A_111 = arith.constant 0 : i32
      %dma_wait3A_112 = arith.constant 0 : i32
      %dma_wait3A_113 = tpu.memref_slice %arg4[%arg1, %run_scoped3A_1, %dma_wait3A_111, %dma_wait3A_112] : memref<16x50x5x40xi32, #tpu.memory_space<hbm>> -> memref<1x1x5x40xi32, #tpu.memory_space<hbm>>
      %dma_wait3A_114 = tpu.memref_squeeze %dma_wait3A_113 : memref<1x1x5x40xi32, #tpu.memory_space<hbm>> -> memref<5x40xi32, #tpu.memory_space<hbm>>
      tpu.wait_dma2 semaphore(%run_scoped3A_83 : memref<!tpu.dma_semaphore, #tpu.memory_space<semaphore_mem>>) src(%dma_wait3A_114 : memref<5x40xi32, #tpu.memory_space<hbm>>) dst(%dma_wait3A_110 : memref<5x40xi32, #tpu.memory_space<vmem>>)
      tpu.yield
    }) : () -> ()
    %mul3A = arith.constant 640 : i32
    %mul3A_3 = arith.muli %arg1, %mul3A : i32
    %mul3A_4 = arith.constant 640 : i32
    %mul3A_5 = arith.muli %arg1, %mul3A_4 : i32
    "tpu.region"() ({
      %run_scoped3A_83 = tpu.sem_alloc : memref<!tpu.dma_semaphore, #tpu.memory_space<semaphore_mem>>
      %dma_start3A = arith.constant 0 : i32
      %dma_start3A_84 = tpu.memref_slice %arg11[%mul3A_5, %dma_start3A] : memref<10240x128xf32, #tpu.memory_space<vmem_shared>> -> memref<640x128xf32, #tpu.memory_space<vmem_shared>>
      %dma_start3A_85 = arith.constant 0 : i32
      %dma_start3A_86 = tpu.memref_slice %arg5[%mul3A_3, %dma_start3A_85] : memref<10240x128xf32, #tpu.memory_space<hbm>> -> memref<640x128xf32, #tpu.memory_space<hbm>>
      tpu.enqueue_dma source(%dma_start3A_86 : memref<640x128xf32, #tpu.memory_space<hbm>>) target(%dma_start3A_84 : memref<640x128xf32, #tpu.memory_space<vmem_shared>>) target_semaphore(%run_scoped3A_83 : memref<!tpu.dma_semaphore, #tpu.memory_space<semaphore_mem>>)
      %dma_wait3A_87 = arith.constant 0 : i32
      %dma_wait3A_88 = tpu.memref_slice %arg11[%mul3A_5, %dma_wait3A_87] : memref<10240x128xf32, #tpu.memory_space<vmem_shared>> -> memref<640x128xf32, #tpu.memory_space<vmem_shared>>
      %dma_wait3A_89 = arith.constant 0 : i32
      %dma_wait3A_90 = tpu.memref_slice %arg5[%mul3A_3, %dma_wait3A_89] : memref<10240x128xf32, #tpu.memory_space<hbm>> -> memref<640x128xf32, #tpu.memory_space<hbm>>
      tpu.wait_dma2 semaphore(%run_scoped3A_83 : memref<!tpu.dma_semaphore, #tpu.memory_space<semaphore_mem>>) src(%dma_wait3A_90 : memref<640x128xf32, #tpu.memory_space<hbm>>) dst(%dma_wait3A_88 : memref<640x128xf32, #tpu.memory_space<vmem_shared>>)
      tpu.yield
    }) : () -> ()
    %barrier3A = arith.constant 0 : index
    tpu.barrier barrier_id(%barrier3A)
    %scan3A = arith.constant 0 : i32
    %scan3A_6 = arith.constant 0 : i32
    %scan3A_7 = arith.constant 25 : i32
    %scan3A_8 = arith.addi %scan3A_6, %scan3A_7 : i32
    %scan3A_9 = arith.constant 1 : i32
    scf.for %scan3A_83 = %scan3A_6 to %scan3A_8 step %scan3A_9  : i32 {
      %mul3A_84 = arith.constant 2 : i32
      %mul3A_85 = arith.muli %mul3A_84, %scan3A_83 : i32
      %gt3A = arith.constant 0 : i32
      %gt3A_86 = arith.cmpi sgt, %mul3A_85, %gt3A : i32
      %convert_element_type3A_87 = arith.extui %gt3A_86 : i1 to i32
      %cond3A_88 = arith.constant 0 : i32
      %cond3A_89 = arith.cmpi ne, %convert_element_type3A_87, %cond3A_88 : i32
      scf.if %cond3A_89 {
        %dma_wait3A_630 = arith.constant 0 : i32
        %dma_wait3A_631 = arith.constant 0 : i32
        %dma_wait3A_632 = arith.constant 0 : i32
        %dma_wait3A_633 = arith.constant 0 : i32
        %dma_wait3A_634 = arith.constant 0 : i32
        %dma_wait3A_635 = tpu.memref_slice %arg10[%dma_wait3A_630, %dma_wait3A_633, %dma_wait3A_634] : memref<5x40x128xf32, #tpu.memory_space<vmem>> -> memref<1x40x128xf32, #tpu.memory_space<vmem>>
        %dma_wait3A_636 = tpu.memref_squeeze %dma_wait3A_635 : memref<1x40x128xf32, #tpu.memory_space<vmem>> -> memref<40x128xf32, #tpu.memory_space<vmem>>
        %dma_wait3A_637 = arith.constant 0 : i32
        %dma_wait3A_638 = tpu.memref_slice %arg9[%dma_wait3A_631, %dma_wait3A_632, %dma_wait3A_637] : memref<2x5x40xi32, #tpu.memory_space<vmem>> -> memref<1x1x40xi32, #tpu.memory_space<vmem>>
        %dma_wait3A_639 = tpu.memref_squeeze %dma_wait3A_638 : memref<1x1x40xi32, #tpu.memory_space<vmem>> -> memref<40xi32, #tpu.memory_space<vmem>>
        %dma_wait3A_640 = arith.constant 0 : i32
        %dma_wait3A_641 = arith.constant 0 : i32
        %dma_wait3A_642 = tpu.memref_slice %arg11[%dma_wait3A_640, %dma_wait3A_641] : memref<10240x128xf32, #tpu.memory_space<vmem_shared>> -> memref<10240x128xf32, #tpu.memory_space<vmem_shared>>
        tpu.wait_indirect_dma semaphore(%arg17 : memref<!tpu.dma_semaphore, #tpu.memory_space<semaphore_mem>>) src(%dma_wait3A_636 : memref<40x128xf32, #tpu.memory_space<vmem>>) dst(%dma_wait3A_642 : memref<10240x128xf32, #tpu.memory_space<vmem_shared>>)
        %dma_wait3A_643 = arith.constant 1 : i32
        %dma_wait3A_644 = arith.constant 0 : i32
        %dma_wait3A_645 = arith.constant 1 : i32
        %dma_wait3A_646 = arith.constant 0 : i32
        %dma_wait3A_647 = arith.constant 0 : i32
        %dma_wait3A_648 = tpu.memref_slice %arg10[%dma_wait3A_643, %dma_wait3A_646, %dma_wait3A_647] : memref<5x40x128xf32, #tpu.memory_space<vmem>> -> memref<1x40x128xf32, #tpu.memory_space<vmem>>
        %dma_wait3A_649 = tpu.memref_squeeze %dma_wait3A_648 : memref<1x40x128xf32, #tpu.memory_space<vmem>> -> memref<40x128xf32, #tpu.memory_space<vmem>>
        %dma_wait3A_650 = arith.constant 0 : i32
        %dma_wait3A_651 = tpu.memref_slice %arg9[%dma_wait3A_644, %dma_wait3A_645, %dma_wait3A_650] : memref<2x5x40xi32, #tpu.memory_space<vmem>> -> memref<1x1x40xi32, #tpu.memory_space<vmem>>
        %dma_wait3A_652 = tpu.memref_squeeze %dma_wait3A_651 : memref<1x1x40xi32, #tpu.memory_space<vmem>> -> memref<40xi32, #tpu.memory_space<vmem>>
        %dma_wait3A_653 = arith.constant 0 : i32
        %dma_wait3A_654 = arith.constant 0 : i32
        %dma_wait3A_655 = tpu.memref_slice %arg11[%dma_wait3A_653, %dma_wait3A_654] : memref<10240x128xf32, #tpu.memory_space<vmem_shared>> -> memref<10240x128xf32, #tpu.memory_space<vmem_shared>>
        tpu.wait_indirect_dma semaphore(%arg18 : memref<!tpu.dma_semaphore, #tpu.memory_space<semaphore_mem>>) src(%dma_wait3A_649 : memref<40x128xf32, #tpu.memory_space<vmem>>) dst(%dma_wait3A_655 : memref<10240x128xf32, #tpu.memory_space<vmem_shared>>)
        %dma_wait3A_656 = arith.constant 2 : i32
        %dma_wait3A_657 = arith.constant 0 : i32
        %dma_wait3A_658 = arith.constant 2 : i32
        %dma_wait3A_659 = arith.constant 0 : i32
        %dma_wait3A_660 = arith.constant 0 : i32
        %dma_wait3A_661 = tpu.memref_slice %arg10[%dma_wait3A_656, %dma_wait3A_659, %dma_wait3A_660] : memref<5x40x128xf32, #tpu.memory_space<vmem>> -> memref<1x40x128xf32, #tpu.memory_space<vmem>>
        %dma_wait3A_662 = tpu.memref_squeeze %dma_wait3A_661 : memref<1x40x128xf32, #tpu.memory_space<vmem>> -> memref<40x128xf32, #tpu.memory_space<vmem>>
        %dma_wait3A_663 = arith.constant 0 : i32
        %dma_wait3A_664 = tpu.memref_slice %arg9[%dma_wait3A_657, %dma_wait3A_658, %dma_wait3A_663] : memref<2x5x40xi32, #tpu.memory_space<vmem>> -> memref<1x1x40xi32, #tpu.memory_space<vmem>>
        %dma_wait3A_665 = tpu.memref_squeeze %dma_wait3A_664 : memref<1x1x40xi32, #tpu.memory_space<vmem>> -> memref<40xi32, #tpu.memory_space<vmem>>
        %dma_wait3A_666 = arith.constant 0 : i32
        %dma_wait3A_667 = arith.constant 0 : i32
        %dma_wait3A_668 = tpu.memref_slice %arg11[%dma_wait3A_666, %dma_wait3A_667] : memref<10240x128xf32, #tpu.memory_space<vmem_shared>> -> memref<10240x128xf32, #tpu.memory_space<vmem_shared>>
        tpu.wait_indirect_dma semaphore(%arg19 : memref<!tpu.dma_semaphore, #tpu.memory_space<semaphore_mem>>) src(%dma_wait3A_662 : memref<40x128xf32, #tpu.memory_space<vmem>>) dst(%dma_wait3A_668 : memref<10240x128xf32, #tpu.memory_space<vmem_shared>>)
        %dma_wait3A_669 = arith.constant 3 : i32
        %dma_wait3A_670 = arith.constant 0 : i32
        %dma_wait3A_671 = arith.constant 3 : i32
        %dma_wait3A_672 = arith.constant 0 : i32
        %dma_wait3A_673 = arith.constant 0 : i32
        %dma_wait3A_674 = tpu.memref_slice %arg10[%dma_wait3A_669, %dma_wait3A_672, %dma_wait3A_673] : memref<5x40x128xf32, #tpu.memory_space<vmem>> -> memref<1x40x128xf32, #tpu.memory_space<vmem>>
        %dma_wait3A_675 = tpu.memref_squeeze %dma_wait3A_674 : memref<1x40x128xf32, #tpu.memory_space<vmem>> -> memref<40x128xf32, #tpu.memory_space<vmem>>
        %dma_wait3A_676 = arith.constant 0 : i32
        %dma_wait3A_677 = tpu.memref_slice %arg9[%dma_wait3A_670, %dma_wait3A_671, %dma_wait3A_676] : memref<2x5x40xi32, #tpu.memory_space<vmem>> -> memref<1x1x40xi32, #tpu.memory_space<vmem>>
        %dma_wait3A_678 = tpu.memref_squeeze %dma_wait3A_677 : memref<1x1x40xi32, #tpu.memory_space<vmem>> -> memref<40xi32, #tpu.memory_space<vmem>>
        %dma_wait3A_679 = arith.constant 0 : i32
        %dma_wait3A_680 = arith.constant 0 : i32
        %dma_wait3A_681 = tpu.memref_slice %arg11[%dma_wait3A_679, %dma_wait3A_680] : memref<10240x128xf32, #tpu.memory_space<vmem_shared>> -> memref<10240x128xf32, #tpu.memory_space<vmem_shared>>
        tpu.wait_indirect_dma semaphore(%arg20 : memref<!tpu.dma_semaphore, #tpu.memory_space<semaphore_mem>>) src(%dma_wait3A_675 : memref<40x128xf32, #tpu.memory_space<vmem>>) dst(%dma_wait3A_681 : memref<10240x128xf32, #tpu.memory_space<vmem_shared>>)
        %dma_wait3A_682 = arith.constant 4 : i32
        %dma_wait3A_683 = arith.constant 0 : i32
        %dma_wait3A_684 = arith.constant 4 : i32
        %dma_wait3A_685 = arith.constant 0 : i32
        %dma_wait3A_686 = arith.constant 0 : i32
        %dma_wait3A_687 = tpu.memref_slice %arg10[%dma_wait3A_682, %dma_wait3A_685, %dma_wait3A_686] : memref<5x40x128xf32, #tpu.memory_space<vmem>> -> memref<1x40x128xf32, #tpu.memory_space<vmem>>
        %dma_wait3A_688 = tpu.memref_squeeze %dma_wait3A_687 : memref<1x40x128xf32, #tpu.memory_space<vmem>> -> memref<40x128xf32, #tpu.memory_space<vmem>>
        %dma_wait3A_689 = arith.constant 0 : i32
        %dma_wait3A_690 = tpu.memref_slice %arg9[%dma_wait3A_683, %dma_wait3A_684, %dma_wait3A_689] : memref<2x5x40xi32, #tpu.memory_space<vmem>> -> memref<1x1x40xi32, #tpu.memory_space<vmem>>
        %dma_wait3A_691 = tpu.memref_squeeze %dma_wait3A_690 : memref<1x1x40xi32, #tpu.memory_space<vmem>> -> memref<40xi32, #tpu.memory_space<vmem>>
        %dma_wait3A_692 = arith.constant 0 : i32
        %dma_wait3A_693 = arith.constant 0 : i32
        %dma_wait3A_694 = tpu.memref_slice %arg11[%dma_wait3A_692, %dma_wait3A_693] : memref<10240x128xf32, #tpu.memory_space<vmem_shared>> -> memref<10240x128xf32, #tpu.memory_space<vmem_shared>>
        tpu.wait_indirect_dma semaphore(%arg21 : memref<!tpu.dma_semaphore, #tpu.memory_space<semaphore_mem>>) src(%dma_wait3A_688 : memref<40x128xf32, #tpu.memory_space<vmem>>) dst(%dma_wait3A_694 : memref<10240x128xf32, #tpu.memory_space<vmem_shared>>)
      } else {
      }
      %dma_start3A = arith.constant 0 : i32
      %dma_start3A_90 = arith.constant 0 : i32
      %dma_start3A_91 = arith.constant 0 : i32
      %dma_start3A_92 = arith.constant 0 : i32
      %dma_start3A_93 = arith.constant 0 : i32
      %dma_start3A_94 = tpu.memref_slice %arg10[%dma_start3A_91, %dma_start3A_92, %dma_start3A_93] : memref<5x40x128xf32, #tpu.memory_space<vmem>> -> memref<1x40x128xf32, #tpu.memory_space<vmem>>
      %dma_start3A_95 = tpu.memref_squeeze %dma_start3A_94 : memref<1x40x128xf32, #tpu.memory_space<vmem>> -> memref<40x128xf32, #tpu.memory_space<vmem>>
      %dma_start3A_96 = arith.constant 0 : i32
      %dma_start3A_97 = tpu.memref_slice %arg8[%dma_start3A, %dma_start3A_90, %dma_start3A_96] : memref<2x5x40xi32, #tpu.memory_space<vmem>> -> memref<1x1x40xi32, #tpu.memory_space<vmem>>
      %dma_start3A_98 = tpu.memref_squeeze %dma_start3A_97 : memref<1x1x40xi32, #tpu.memory_space<vmem>> -> memref<40xi32, #tpu.memory_space<vmem>>
      %dma_start3A_99 = arith.constant 0 : i32
      %dma_start3A_100 = arith.constant 0 : i32
      %dma_start3A_101 = tpu.memref_slice %arg2[%dma_start3A_99, %dma_start3A_100] : memref<20000x128xf32, #tpu.memory_space<hbm>> -> memref<20000x128xf32, #tpu.memory_space<hbm>>
      tpu.enqueue_indirect_dma source(%dma_start3A_101 : memref<20000x128xf32, #tpu.memory_space<hbm>>) target(%dma_start3A_95 : memref<40x128xf32, #tpu.memory_space<vmem>>) offsets(%dma_start3A_98 : memref<40xi32, #tpu.memory_space<vmem>>) semaphore(%arg12 : memref<!tpu.dma_semaphore, #tpu.memory_space<semaphore_mem>>)
      %dma_start3A_102 = arith.constant 0 : i32
      %dma_start3A_103 = arith.constant 1 : i32
      %dma_start3A_104 = arith.constant 1 : i32
      %dma_start3A_105 = arith.constant 0 : i32
      %dma_start3A_106 = arith.constant 0 : i32
      %dma_start3A_107 = tpu.memref_slice %arg10[%dma_start3A_104, %dma_start3A_105, %dma_start3A_106] : memref<5x40x128xf32, #tpu.memory_space<vmem>> -> memref<1x40x128xf32, #tpu.memory_space<vmem>>
      %dma_start3A_108 = tpu.memref_squeeze %dma_start3A_107 : memref<1x40x128xf32, #tpu.memory_space<vmem>> -> memref<40x128xf32, #tpu.memory_space<vmem>>
      %dma_start3A_109 = arith.constant 0 : i32
      %dma_start3A_110 = tpu.memref_slice %arg8[%dma_start3A_102, %dma_start3A_103, %dma_start3A_109] : memref<2x5x40xi32, #tpu.memory_space<vmem>> -> memref<1x1x40xi32, #tpu.memory_space<vmem>>
      %dma_start3A_111 = tpu.memref_squeeze %dma_start3A_110 : memref<1x1x40xi32, #tpu.memory_space<vmem>> -> memref<40xi32, #tpu.memory_space<vmem>>
      %dma_start3A_112 = arith.constant 0 : i32
      %dma_start3A_113 = arith.constant 0 : i32
      %dma_start3A_114 = tpu.memref_slice %arg2[%dma_start3A_112, %dma_start3A_113] : memref<20000x128xf32, #tpu.memory_space<hbm>> -> memref<20000x128xf32, #tpu.memory_space<hbm>>
      tpu.enqueue_indirect_dma source(%dma_start3A_114 : memref<20000x128xf32, #tpu.memory_space<hbm>>) target(%dma_start3A_108 : memref<40x128xf32, #tpu.memory_space<vmem>>) offsets(%dma_start3A_111 : memref<40xi32, #tpu.memory_space<vmem>>) semaphore(%arg13 : memref<!tpu.dma_semaphore, #tpu.memory_space<semaphore_mem>>)
      %dma_start3A_115 = arith.constant 0 : i32
      %dma_start3A_116 = arith.constant 2 : i32
      %dma_start3A_117 = arith.constant 2 : i32
      %dma_start3A_118 = arith.constant 0 : i32
      %dma_start3A_119 = arith.constant 0 : i32
      %dma_start3A_120 = tpu.memref_slice %arg10[%dma_start3A_117, %dma_start3A_118, %dma_start3A_119] : memref<5x40x128xf32, #tpu.memory_space<vmem>> -> memref<1x40x128xf32, #tpu.memory_space<vmem>>
      %dma_start3A_121 = tpu.memref_squeeze %dma_start3A_120 : memref<1x40x128xf32, #tpu.memory_space<vmem>> -> memref<40x128xf32, #tpu.memory_space<vmem>>
      %dma_start3A_122 = arith.constant 0 : i32
      %dma_start3A_123 = tpu.memref_slice %arg8[%dma_start3A_115, %dma_start3A_116, %dma_start3A_122] : memref<2x5x40xi32, #tpu.memory_space<vmem>> -> memref<1x1x40xi32, #tpu.memory_space<vmem>>
      %dma_start3A_124 = tpu.memref_squeeze %dma_start3A_123 : memref<1x1x40xi32, #tpu.memory_space<vmem>> -> memref<40xi32, #tpu.memory_space<vmem>>
      %dma_start3A_125 = arith.constant 0 : i32
      %dma_start3A_126 = arith.constant 0 : i32
      %dma_start3A_127 = tpu.memref_slice %arg2[%dma_start3A_125, %dma_start3A_126] : memref<20000x128xf32, #tpu.memory_space<hbm>> -> memref<20000x128xf32, #tpu.memory_space<hbm>>
      tpu.enqueue_indirect_dma source(%dma_start3A_127 : memref<20000x128xf32, #tpu.memory_space<hbm>>) target(%dma_start3A_121 : memref<40x128xf32, #tpu.memory_space<vmem>>) offsets(%dma_start3A_124 : memref<40xi32, #tpu.memory_space<vmem>>) semaphore(%arg14 : memref<!tpu.dma_semaphore, #tpu.memory_space<semaphore_mem>>)
      %dma_start3A_128 = arith.constant 0 : i32
      %dma_start3A_129 = arith.constant 3 : i32
      %dma_start3A_130 = arith.constant 3 : i32
      %dma_start3A_131 = arith.constant 0 : i32
      %dma_start3A_132 = arith.constant 0 : i32
      %dma_start3A_133 = tpu.memref_slice %arg10[%dma_start3A_130, %dma_start3A_131, %dma_start3A_132] : memref<5x40x128xf32, #tpu.memory_space<vmem>> -> memref<1x40x128xf32, #tpu.memory_space<vmem>>
      %dma_start3A_134 = tpu.memref_squeeze %dma_start3A_133 : memref<1x40x128xf32, #tpu.memory_space<vmem>> -> memref<40x128xf32, #tpu.memory_space<vmem>>
      %dma_start3A_135 = arith.constant 0 : i32
      %dma_start3A_136 = tpu.memref_slice %arg8[%dma_start3A_128, %dma_start3A_129, %dma_start3A_135] : memref<2x5x40xi32, #tpu.memory_space<vmem>> -> memref<1x1x40xi32, #tpu.memory_space<vmem>>
      %dma_start3A_137 = tpu.memref_squeeze %dma_start3A_136 : memref<1x1x40xi32, #tpu.memory_space<vmem>> -> memref<40xi32, #tpu.memory_space<vmem>>
      %dma_start3A_138 = arith.constant 0 : i32
      %dma_start3A_139 = arith.constant 0 : i32
      %dma_start3A_140 = tpu.memref_slice %arg2[%dma_start3A_138, %dma_start3A_139] : memref<20000x128xf32, #tpu.memory_space<hbm>> -> memref<20000x128xf32, #tpu.memory_space<hbm>>
      tpu.enqueue_indirect_dma source(%dma_start3A_140 : memref<20000x128xf32, #tpu.memory_space<hbm>>) target(%dma_start3A_134 : memref<40x128xf32, #tpu.memory_space<vmem>>) offsets(%dma_start3A_137 : memref<40xi32, #tpu.memory_space<vmem>>) semaphore(%arg15 : memref<!tpu.dma_semaphore, #tpu.memory_space<semaphore_mem>>)
      %dma_start3A_141 = arith.constant 0 : i32
      %dma_start3A_142 = arith.constant 4 : i32
      %dma_start3A_143 = arith.constant 4 : i32
      %dma_start3A_144 = arith.constant 0 : i32
      %dma_start3A_145 = arith.constant 0 : i32
      %dma_start3A_146 = tpu.memref_slice %arg10[%dma_start3A_143, %dma_start3A_144, %dma_start3A_145] : memref<5x40x128xf32, #tpu.memory_space<vmem>> -> memref<1x40x128xf32, #tpu.memory_space<vmem>>
      %dma_start3A_147 = tpu.memref_squeeze %dma_start3A_146 : memref<1x40x128xf32, #tpu.memory_space<vmem>> -> memref<40x128xf32, #tpu.memory_space<vmem>>
      %dma_start3A_148 = arith.constant 0 : i32
      %dma_start3A_149 = tpu.memref_slice %arg8[%dma_start3A_141, %dma_start3A_142, %dma_start3A_148] : memref<2x5x40xi32, #tpu.memory_space<vmem>> -> memref<1x1x40xi32, #tpu.memory_space<vmem>>
      %dma_start3A_150 = tpu.memref_squeeze %dma_start3A_149 : memref<1x1x40xi32, #tpu.memory_space<vmem>> -> memref<40xi32, #tpu.memory_space<vmem>>
      %dma_start3A_151 = arith.constant 0 : i32
      %dma_start3A_152 = arith.constant 0 : i32
      %dma_start3A_153 = tpu.memref_slice %arg2[%dma_start3A_151, %dma_start3A_152] : memref<20000x128xf32, #tpu.memory_space<hbm>> -> memref<20000x128xf32, #tpu.memory_space<hbm>>
      tpu.enqueue_indirect_dma source(%dma_start3A_153 : memref<20000x128xf32, #tpu.memory_space<hbm>>) target(%dma_start3A_147 : memref<40x128xf32, #tpu.memory_space<vmem>>) offsets(%dma_start3A_150 : memref<40xi32, #tpu.memory_space<vmem>>) semaphore(%arg16 : memref<!tpu.dma_semaphore, #tpu.memory_space<semaphore_mem>>)
      %add3A = arith.constant 1 : i32
      %add3A_154 = arith.addi %mul3A_85, %add3A : i32
      %min3A = arith.constant 49 : i32
      %min3A_155 = arith.minsi %add3A_154, %min3A : i32
      %dma_start3A_156 = arith.constant 1 : i32
      %dma_start3A_157 = arith.constant 0 : i32
      %dma_start3A_158 = arith.constant 0 : i32
      %dma_start3A_159 = tpu.memref_slice %arg8[%dma_start3A_156, %dma_start3A_157, %dma_start3A_158] : memref<2x5x40xi32, #tpu.memory_space<vmem>> -> memref<1x5x40xi32, #tpu.memory_space<vmem>>
      %dma_start3A_160 = tpu.memref_squeeze %dma_start3A_159 : memref<1x5x40xi32, #tpu.memory_space<vmem>> -> memref<5x40xi32, #tpu.memory_space<vmem>>
      %dma_start3A_161 = arith.constant 0 : i32
      %dma_start3A_162 = arith.constant 0 : i32
      %dma_start3A_163 = tpu.memref_slice %arg3[%arg0, %arg1, %min3A_155, %dma_start3A_161, %dma_start3A_162] : memref<2x16x50x5x40xi32, #tpu.memory_space<hbm>> -> memref<1x1x1x5x40xi32, #tpu.memory_space<hbm>>
      %dma_start3A_164 = tpu.memref_squeeze %dma_start3A_163 : memref<1x1x1x5x40xi32, #tpu.memory_space<hbm>> -> memref<5x40xi32, #tpu.memory_space<hbm>>
      %dma_start3A_165 = arith.constant 0 : i32
      %dma_start3A_166 = arith.constant 0 : i32
      %dma_start3A_167 = tpu.memref_slice %arg8[%dma_start3A_156, %dma_start3A_165, %dma_start3A_166] : memref<2x5x40xi32, #tpu.memory_space<vmem>> -> memref<1x5x40xi32, #tpu.memory_space<vmem>>
      %dma_start3A_168 = tpu.memref_squeeze %dma_start3A_167 : memref<1x5x40xi32, #tpu.memory_space<vmem>> -> memref<5x40xi32, #tpu.memory_space<vmem>>
      %dma_start3A_169 = arith.constant 0 : i32
      %dma_start3A_170 = arith.constant 0 : i32
      %dma_start3A_171 = tpu.memref_slice %arg3[%arg0, %arg1, %min3A_155, %dma_start3A_169, %dma_start3A_170] : memref<2x16x50x5x40xi32, #tpu.memory_space<hbm>> -> memref<1x1x1x5x40xi32, #tpu.memory_space<hbm>>
      %dma_start3A_172 = tpu.memref_squeeze %dma_start3A_171 : memref<1x1x1x5x40xi32, #tpu.memory_space<hbm>> -> memref<5x40xi32, #tpu.memory_space<hbm>>
      tpu.enqueue_dma source(%dma_start3A_172 : memref<5x40xi32, #tpu.memory_space<hbm>>) target(%dma_start3A_168 : memref<5x40xi32, #tpu.memory_space<vmem>>) target_semaphore(%arg22 : memref<!tpu.dma_semaphore, #tpu.memory_space<semaphore_mem>>)
      %dma_start3A_173 = arith.constant 1 : i32
      %dma_start3A_174 = arith.constant 0 : i32
      %dma_start3A_175 = arith.constant 0 : i32
      %dma_start3A_176 = tpu.memref_slice %arg9[%dma_start3A_173, %dma_start3A_174, %dma_start3A_175] : memref<2x5x40xi32, #tpu.memory_space<vmem>> -> memref<1x5x40xi32, #tpu.memory_space<vmem>>
      %dma_start3A_177 = tpu.memref_squeeze %dma_start3A_176 : memref<1x5x40xi32, #tpu.memory_space<vmem>> -> memref<5x40xi32, #tpu.memory_space<vmem>>
      %dma_start3A_178 = arith.constant 0 : i32
      %dma_start3A_179 = arith.constant 0 : i32
      %dma_start3A_180 = tpu.memref_slice %arg4[%arg1, %min3A_155, %dma_start3A_178, %dma_start3A_179] : memref<16x50x5x40xi32, #tpu.memory_space<hbm>> -> memref<1x1x5x40xi32, #tpu.memory_space<hbm>>
      %dma_start3A_181 = tpu.memref_squeeze %dma_start3A_180 : memref<1x1x5x40xi32, #tpu.memory_space<hbm>> -> memref<5x40xi32, #tpu.memory_space<hbm>>
      %dma_start3A_182 = arith.constant 0 : i32
      %dma_start3A_183 = arith.constant 0 : i32
      %dma_start3A_184 = tpu.memref_slice %arg9[%dma_start3A_173, %dma_start3A_182, %dma_start3A_183] : memref<2x5x40xi32, #tpu.memory_space<vmem>> -> memref<1x5x40xi32, #tpu.memory_space<vmem>>
      %dma_start3A_185 = tpu.memref_squeeze %dma_start3A_184 : memref<1x5x40xi32, #tpu.memory_space<vmem>> -> memref<5x40xi32, #tpu.memory_space<vmem>>
      %dma_start3A_186 = arith.constant 0 : i32
      %dma_start3A_187 = arith.constant 0 : i32
      %dma_start3A_188 = tpu.memref_slice %arg4[%arg1, %min3A_155, %dma_start3A_186, %dma_start3A_187] : memref<16x50x5x40xi32, #tpu.memory_space<hbm>> -> memref<1x1x5x40xi32, #tpu.memory_space<hbm>>
      %dma_start3A_189 = tpu.memref_squeeze %dma_start3A_188 : memref<1x1x5x40xi32, #tpu.memory_space<hbm>> -> memref<5x40xi32, #tpu.memory_space<hbm>>
      tpu.enqueue_dma source(%dma_start3A_189 : memref<5x40xi32, #tpu.memory_space<hbm>>) target(%dma_start3A_185 : memref<5x40xi32, #tpu.memory_space<vmem>>) target_semaphore(%arg23 : memref<!tpu.dma_semaphore, #tpu.memory_space<semaphore_mem>>)
      %dma_wait3A_190 = arith.constant 0 : i32
      %dma_wait3A_191 = arith.constant 0 : i32
      %dma_wait3A_192 = arith.constant 0 : i32
      %dma_wait3A_193 = arith.constant 0 : i32
      %dma_wait3A_194 = arith.constant 0 : i32
      %dma_wait3A_195 = tpu.memref_slice %arg10[%dma_wait3A_192, %dma_wait3A_193, %dma_wait3A_194] : memref<5x40x128xf32, #tpu.memory_space<vmem>> -> memref<1x40x128xf32, #tpu.memory_space<vmem>>
      %dma_wait3A_196 = tpu.memref_squeeze %dma_wait3A_195 : memref<1x40x128xf32, #tpu.memory_space<vmem>> -> memref<40x128xf32, #tpu.memory_space<vmem>>
      %dma_wait3A_197 = arith.constant 0 : i32
      %dma_wait3A_198 = tpu.memref_slice %arg8[%dma_wait3A_190, %dma_wait3A_191, %dma_wait3A_197] : memref<2x5x40xi32, #tpu.memory_space<vmem>> -> memref<1x1x40xi32, #tpu.memory_space<vmem>>
      %dma_wait3A_199 = tpu.memref_squeeze %dma_wait3A_198 : memref<1x1x40xi32, #tpu.memory_space<vmem>> -> memref<40xi32, #tpu.memory_space<vmem>>
      %dma_wait3A_200 = arith.constant 0 : i32
      %dma_wait3A_201 = arith.constant 0 : i32
      %dma_wait3A_202 = tpu.memref_slice %arg2[%dma_wait3A_200, %dma_wait3A_201] : memref<20000x128xf32, #tpu.memory_space<hbm>> -> memref<20000x128xf32, #tpu.memory_space<hbm>>
      tpu.wait_indirect_dma semaphore(%arg12 : memref<!tpu.dma_semaphore, #tpu.memory_space<semaphore_mem>>) src(%dma_wait3A_202 : memref<20000x128xf32, #tpu.memory_space<hbm>>) dst(%dma_wait3A_196 : memref<40x128xf32, #tpu.memory_space<vmem>>)
      %dma_start3A_203 = arith.constant 0 : i32
      %dma_start3A_204 = arith.constant 0 : i32
      %dma_start3A_205 = arith.constant 0 : i32
      %dma_start3A_206 = arith.constant 0 : i32
      %dma_start3A_207 = arith.constant 0 : i32
      %dma_start3A_208 = tpu.memref_slice %arg10[%dma_start3A_203, %dma_start3A_206, %dma_start3A_207] : memref<5x40x128xf32, #tpu.memory_space<vmem>> -> memref<1x40x128xf32, #tpu.memory_space<vmem>>
      %dma_start3A_209 = tpu.memref_squeeze %dma_start3A_208 : memref<1x40x128xf32, #tpu.memory_space<vmem>> -> memref<40x128xf32, #tpu.memory_space<vmem>>
      %dma_start3A_210 = arith.constant 0 : i32
      %dma_start3A_211 = tpu.memref_slice %arg9[%dma_start3A_204, %dma_start3A_205, %dma_start3A_210] : memref<2x5x40xi32, #tpu.memory_space<vmem>> -> memref<1x1x40xi32, #tpu.memory_space<vmem>>
      %dma_start3A_212 = tpu.memref_squeeze %dma_start3A_211 : memref<1x1x40xi32, #tpu.memory_space<vmem>> -> memref<40xi32, #tpu.memory_space<vmem>>
      %dma_start3A_213 = arith.constant 0 : i32
      %dma_start3A_214 = arith.constant 0 : i32
      %dma_start3A_215 = tpu.memref_slice %arg11[%dma_start3A_213, %dma_start3A_214] : memref<10240x128xf32, #tpu.memory_space<vmem_shared>> -> memref<10240x128xf32, #tpu.memory_space<vmem_shared>>
      tpu.enqueue_indirect_dma source(%dma_start3A_209 : memref<40x128xf32, #tpu.memory_space<vmem>>) target(%dma_start3A_215 : memref<10240x128xf32, #tpu.memory_space<vmem_shared>>) offsets(%dma_start3A_212 : memref<40xi32, #tpu.memory_space<vmem>>) semaphore(%arg17 : memref<!tpu.dma_semaphore, #tpu.memory_space<semaphore_mem>>) {add = true}
      %dma_wait3A_216 = arith.constant 0 : i32
      %dma_wait3A_217 = arith.constant 1 : i32
      %dma_wait3A_218 = arith.constant 1 : i32
      %dma_wait3A_219 = arith.constant 0 : i32
      %dma_wait3A_220 = arith.constant 0 : i32
      %dma_wait3A_221 = tpu.memref_slice %arg10[%dma_wait3A_218, %dma_wait3A_219, %dma_wait3A_220] : memref<5x40x128xf32, #tpu.memory_space<vmem>> -> memref<1x40x128xf32, #tpu.memory_space<vmem>>
      %dma_wait3A_222 = tpu.memref_squeeze %dma_wait3A_221 : memref<1x40x128xf32, #tpu.memory_space<vmem>> -> memref<40x128xf32, #tpu.memory_space<vmem>>
      %dma_wait3A_223 = arith.constant 0 : i32
      %dma_wait3A_224 = tpu.memref_slice %arg8[%dma_wait3A_216, %dma_wait3A_217, %dma_wait3A_223] : memref<2x5x40xi32, #tpu.memory_space<vmem>> -> memref<1x1x40xi32, #tpu.memory_space<vmem>>
      %dma_wait3A_225 = tpu.memref_squeeze %dma_wait3A_224 : memref<1x1x40xi32, #tpu.memory_space<vmem>> -> memref<40xi32, #tpu.memory_space<vmem>>
      %dma_wait3A_226 = arith.constant 0 : i32
      %dma_wait3A_227 = arith.constant 0 : i32
      %dma_wait3A_228 = tpu.memref_slice %arg2[%dma_wait3A_226, %dma_wait3A_227] : memref<20000x128xf32, #tpu.memory_space<hbm>> -> memref<20000x128xf32, #tpu.memory_space<hbm>>
      tpu.wait_indirect_dma semaphore(%arg13 : memref<!tpu.dma_semaphore, #tpu.memory_space<semaphore_mem>>) src(%dma_wait3A_228 : memref<20000x128xf32, #tpu.memory_space<hbm>>) dst(%dma_wait3A_222 : memref<40x128xf32, #tpu.memory_space<vmem>>)
      %dma_start3A_229 = arith.constant 1 : i32
      %dma_start3A_230 = arith.constant 0 : i32
      %dma_start3A_231 = arith.constant 1 : i32
      %dma_start3A_232 = arith.constant 0 : i32
      %dma_start3A_233 = arith.constant 0 : i32
      %dma_start3A_234 = tpu.memref_slice %arg10[%dma_start3A_229, %dma_start3A_232, %dma_start3A_233] : memref<5x40x128xf32, #tpu.memory_space<vmem>> -> memref<1x40x128xf32, #tpu.memory_space<vmem>>
      %dma_start3A_235 = tpu.memref_squeeze %dma_start3A_234 : memref<1x40x128xf32, #tpu.memory_space<vmem>> -> memref<40x128xf32, #tpu.memory_space<vmem>>
      %dma_start3A_236 = arith.constant 0 : i32
      %dma_start3A_237 = tpu.memref_slice %arg9[%dma_start3A_230, %dma_start3A_231, %dma_start3A_236] : memref<2x5x40xi32, #tpu.memory_space<vmem>> -> memref<1x1x40xi32, #tpu.memory_space<vmem>>
      %dma_start3A_238 = tpu.memref_squeeze %dma_start3A_237 : memref<1x1x40xi32, #tpu.memory_space<vmem>> -> memref<40xi32, #tpu.memory_space<vmem>>
      %dma_start3A_239 = arith.constant 0 : i32
      %dma_start3A_240 = arith.constant 0 : i32
      %dma_start3A_241 = tpu.memref_slice %arg11[%dma_start3A_239, %dma_start3A_240] : memref<10240x128xf32, #tpu.memory_space<vmem_shared>> -> memref<10240x128xf32, #tpu.memory_space<vmem_shared>>
      tpu.enqueue_indirect_dma source(%dma_start3A_235 : memref<40x128xf32, #tpu.memory_space<vmem>>) target(%dma_start3A_241 : memref<10240x128xf32, #tpu.memory_space<vmem_shared>>) offsets(%dma_start3A_238 : memref<40xi32, #tpu.memory_space<vmem>>) semaphore(%arg18 : memref<!tpu.dma_semaphore, #tpu.memory_space<semaphore_mem>>) {add = true}
      %dma_wait3A_242 = arith.constant 0 : i32
      %dma_wait3A_243 = arith.constant 2 : i32
      %dma_wait3A_244 = arith.constant 2 : i32
      %dma_wait3A_245 = arith.constant 0 : i32
      %dma_wait3A_246 = arith.constant 0 : i32
      %dma_wait3A_247 = tpu.memref_slice %arg10[%dma_wait3A_244, %dma_wait3A_245, %dma_wait3A_246] : memref<5x40x128xf32, #tpu.memory_space<vmem>> -> memref<1x40x128xf32, #tpu.memory_space<vmem>>
      %dma_wait3A_248 = tpu.memref_squeeze %dma_wait3A_247 : memref<1x40x128xf32, #tpu.memory_space<vmem>> -> memref<40x128xf32, #tpu.memory_space<vmem>>
      %dma_wait3A_249 = arith.constant 0 : i32
      %dma_wait3A_250 = tpu.memref_slice %arg8[%dma_wait3A_242, %dma_wait3A_243, %dma_wait3A_249] : memref<2x5x40xi32, #tpu.memory_space<vmem>> -> memref<1x1x40xi32, #tpu.memory_space<vmem>>
      %dma_wait3A_251 = tpu.memref_squeeze %dma_wait3A_250 : memref<1x1x40xi32, #tpu.memory_space<vmem>> -> memref<40xi32, #tpu.memory_space<vmem>>
      %dma_wait3A_252 = arith.constant 0 : i32
      %dma_wait3A_253 = arith.constant 0 : i32
      %dma_wait3A_254 = tpu.memref_slice %arg2[%dma_wait3A_252, %dma_wait3A_253] : memref<20000x128xf32, #tpu.memory_space<hbm>> -> memref<20000x128xf32, #tpu.memory_space<hbm>>
      tpu.wait_indirect_dma semaphore(%arg14 : memref<!tpu.dma_semaphore, #tpu.memory_space<semaphore_mem>>) src(%dma_wait3A_254 : memref<20000x128xf32, #tpu.memory_space<hbm>>) dst(%dma_wait3A_248 : memref<40x128xf32, #tpu.memory_space<vmem>>)
      %dma_start3A_255 = arith.constant 2 : i32
      %dma_start3A_256 = arith.constant 0 : i32
      %dma_start3A_257 = arith.constant 2 : i32
      %dma_start3A_258 = arith.constant 0 : i32
      %dma_start3A_259 = arith.constant 0 : i32
      %dma_start3A_260 = tpu.memref_slice %arg10[%dma_start3A_255, %dma_start3A_258, %dma_start3A_259] : memref<5x40x128xf32, #tpu.memory_space<vmem>> -> memref<1x40x128xf32, #tpu.memory_space<vmem>>
      %dma_start3A_261 = tpu.memref_squeeze %dma_start3A_260 : memref<1x40x128xf32, #tpu.memory_space<vmem>> -> memref<40x128xf32, #tpu.memory_space<vmem>>
      %dma_start3A_262 = arith.constant 0 : i32
      %dma_start3A_263 = tpu.memref_slice %arg9[%dma_start3A_256, %dma_start3A_257, %dma_start3A_262] : memref<2x5x40xi32, #tpu.memory_space<vmem>> -> memref<1x1x40xi32, #tpu.memory_space<vmem>>
      %dma_start3A_264 = tpu.memref_squeeze %dma_start3A_263 : memref<1x1x40xi32, #tpu.memory_space<vmem>> -> memref<40xi32, #tpu.memory_space<vmem>>
      %dma_start3A_265 = arith.constant 0 : i32
      %dma_start3A_266 = arith.constant 0 : i32
      %dma_start3A_267 = tpu.memref_slice %arg11[%dma_start3A_265, %dma_start3A_266] : memref<10240x128xf32, #tpu.memory_space<vmem_shared>> -> memref<10240x128xf32, #tpu.memory_space<vmem_shared>>
      tpu.enqueue_indirect_dma source(%dma_start3A_261 : memref<40x128xf32, #tpu.memory_space<vmem>>) target(%dma_start3A_267 : memref<10240x128xf32, #tpu.memory_space<vmem_shared>>) offsets(%dma_start3A_264 : memref<40xi32, #tpu.memory_space<vmem>>) semaphore(%arg19 : memref<!tpu.dma_semaphore, #tpu.memory_space<semaphore_mem>>) {add = true}
      %dma_wait3A_268 = arith.constant 0 : i32
      %dma_wait3A_269 = arith.constant 3 : i32
      %dma_wait3A_270 = arith.constant 3 : i32
      %dma_wait3A_271 = arith.constant 0 : i32
      %dma_wait3A_272 = arith.constant 0 : i32
      %dma_wait3A_273 = tpu.memref_slice %arg10[%dma_wait3A_270, %dma_wait3A_271, %dma_wait3A_272] : memref<5x40x128xf32, #tpu.memory_space<vmem>> -> memref<1x40x128xf32, #tpu.memory_space<vmem>>
      %dma_wait3A_274 = tpu.memref_squeeze %dma_wait3A_273 : memref<1x40x128xf32, #tpu.memory_space<vmem>> -> memref<40x128xf32, #tpu.memory_space<vmem>>
      %dma_wait3A_275 = arith.constant 0 : i32
      %dma_wait3A_276 = tpu.memref_slice %arg8[%dma_wait3A_268, %dma_wait3A_269, %dma_wait3A_275] : memref<2x5x40xi32, #tpu.memory_space<vmem>> -> memref<1x1x40xi32, #tpu.memory_space<vmem>>
      %dma_wait3A_277 = tpu.memref_squeeze %dma_wait3A_276 : memref<1x1x40xi32, #tpu.memory_space<vmem>> -> memref<40xi32, #tpu.memory_space<vmem>>
      %dma_wait3A_278 = arith.constant 0 : i32
      %dma_wait3A_279 = arith.constant 0 : i32
      %dma_wait3A_280 = tpu.memref_slice %arg2[%dma_wait3A_278, %dma_wait3A_279] : memref<20000x128xf32, #tpu.memory_space<hbm>> -> memref<20000x128xf32, #tpu.memory_space<hbm>>
      tpu.wait_indirect_dma semaphore(%arg15 : memref<!tpu.dma_semaphore, #tpu.memory_space<semaphore_mem>>) src(%dma_wait3A_280 : memref<20000x128xf32, #tpu.memory_space<hbm>>) dst(%dma_wait3A_274 : memref<40x128xf32, #tpu.memory_space<vmem>>)
      %dma_start3A_281 = arith.constant 3 : i32
      %dma_start3A_282 = arith.constant 0 : i32
      %dma_start3A_283 = arith.constant 3 : i32
      %dma_start3A_284 = arith.constant 0 : i32
      %dma_start3A_285 = arith.constant 0 : i32
      %dma_start3A_286 = tpu.memref_slice %arg10[%dma_start3A_281, %dma_start3A_284, %dma_start3A_285] : memref<5x40x128xf32, #tpu.memory_space<vmem>> -> memref<1x40x128xf32, #tpu.memory_space<vmem>>
      %dma_start3A_287 = tpu.memref_squeeze %dma_start3A_286 : memref<1x40x128xf32, #tpu.memory_space<vmem>> -> memref<40x128xf32, #tpu.memory_space<vmem>>
      %dma_start3A_288 = arith.constant 0 : i32
      %dma_start3A_289 = tpu.memref_slice %arg9[%dma_start3A_282, %dma_start3A_283, %dma_start3A_288] : memref<2x5x40xi32, #tpu.memory_space<vmem>> -> memref<1x1x40xi32, #tpu.memory_space<vmem>>
      %dma_start3A_290 = tpu.memref_squeeze %dma_start3A_289 : memref<1x1x40xi32, #tpu.memory_space<vmem>> -> memref<40xi32, #tpu.memory_space<vmem>>
      %dma_start3A_291 = arith.constant 0 : i32
      %dma_start3A_292 = arith.constant 0 : i32
      %dma_start3A_293 = tpu.memref_slice %arg11[%dma_start3A_291, %dma_start3A_292] : memref<10240x128xf32, #tpu.memory_space<vmem_shared>> -> memref<10240x128xf32, #tpu.memory_space<vmem_shared>>
      tpu.enqueue_indirect_dma source(%dma_start3A_287 : memref<40x128xf32, #tpu.memory_space<vmem>>) target(%dma_start3A_293 : memref<10240x128xf32, #tpu.memory_space<vmem_shared>>) offsets(%dma_start3A_290 : memref<40xi32, #tpu.memory_space<vmem>>) semaphore(%arg20 : memref<!tpu.dma_semaphore, #tpu.memory_space<semaphore_mem>>) {add = true}
      %dma_wait3A_294 = arith.constant 0 : i32
      %dma_wait3A_295 = arith.constant 4 : i32
      %dma_wait3A_296 = arith.constant 4 : i32
      %dma_wait3A_297 = arith.constant 0 : i32
      %dma_wait3A_298 = arith.constant 0 : i32
      %dma_wait3A_299 = tpu.memref_slice %arg10[%dma_wait3A_296, %dma_wait3A_297, %dma_wait3A_298] : memref<5x40x128xf32, #tpu.memory_space<vmem>> -> memref<1x40x128xf32, #tpu.memory_space<vmem>>
      %dma_wait3A_300 = tpu.memref_squeeze %dma_wait3A_299 : memref<1x40x128xf32, #tpu.memory_space<vmem>> -> memref<40x128xf32, #tpu.memory_space<vmem>>
      %dma_wait3A_301 = arith.constant 0 : i32
      %dma_wait3A_302 = tpu.memref_slice %arg8[%dma_wait3A_294, %dma_wait3A_295, %dma_wait3A_301] : memref<2x5x40xi32, #tpu.memory_space<vmem>> -> memref<1x1x40xi32, #tpu.memory_space<vmem>>
      %dma_wait3A_303 = tpu.memref_squeeze %dma_wait3A_302 : memref<1x1x40xi32, #tpu.memory_space<vmem>> -> memref<40xi32, #tpu.memory_space<vmem>>
      %dma_wait3A_304 = arith.constant 0 : i32
      %dma_wait3A_305 = arith.constant 0 : i32
      %dma_wait3A_306 = tpu.memref_slice %arg2[%dma_wait3A_304, %dma_wait3A_305] : memref<20000x128xf32, #tpu.memory_space<hbm>> -> memref<20000x128xf32, #tpu.memory_space<hbm>>
      tpu.wait_indirect_dma semaphore(%arg16 : memref<!tpu.dma_semaphore, #tpu.memory_space<semaphore_mem>>) src(%dma_wait3A_306 : memref<20000x128xf32, #tpu.memory_space<hbm>>) dst(%dma_wait3A_300 : memref<40x128xf32, #tpu.memory_space<vmem>>)
      %dma_start3A_307 = arith.constant 4 : i32
      %dma_start3A_308 = arith.constant 0 : i32
      %dma_start3A_309 = arith.constant 4 : i32
      %dma_start3A_310 = arith.constant 0 : i32
      %dma_start3A_311 = arith.constant 0 : i32
      %dma_start3A_312 = tpu.memref_slice %arg10[%dma_start3A_307, %dma_start3A_310, %dma_start3A_311] : memref<5x40x128xf32, #tpu.memory_space<vmem>> -> memref<1x40x128xf32, #tpu.memory_space<vmem>>
      %dma_start3A_313 = tpu.memref_squeeze %dma_start3A_312 : memref<1x40x128xf32, #tpu.memory_space<vmem>> -> memref<40x128xf32, #tpu.memory_space<vmem>>
      %dma_start3A_314 = arith.constant 0 : i32
      %dma_start3A_315 = tpu.memref_slice %arg9[%dma_start3A_308, %dma_start3A_309, %dma_start3A_314] : memref<2x5x40xi32, #tpu.memory_space<vmem>> -> memref<1x1x40xi32, #tpu.memory_space<vmem>>
      %dma_start3A_316 = tpu.memref_squeeze %dma_start3A_315 : memref<1x1x40xi32, #tpu.memory_space<vmem>> -> memref<40xi32, #tpu.memory_space<vmem>>
      %dma_start3A_317 = arith.constant 0 : i32
      %dma_start3A_318 = arith.constant 0 : i32
      %dma_start3A_319 = tpu.memref_slice %arg11[%dma_start3A_317, %dma_start3A_318] : memref<10240x128xf32, #tpu.memory_space<vmem_shared>> -> memref<10240x128xf32, #tpu.memory_space<vmem_shared>>
      tpu.enqueue_indirect_dma source(%dma_start3A_313 : memref<40x128xf32, #tpu.memory_space<vmem>>) target(%dma_start3A_319 : memref<10240x128xf32, #tpu.memory_space<vmem_shared>>) offsets(%dma_start3A_316 : memref<40xi32, #tpu.memory_space<vmem>>) semaphore(%arg21 : memref<!tpu.dma_semaphore, #tpu.memory_space<semaphore_mem>>) {add = true}
      %dma_wait3A_320 = arith.constant 1 : i32
      %dma_wait3A_321 = arith.constant 0 : i32
      %dma_wait3A_322 = arith.constant 0 : i32
      %dma_wait3A_323 = tpu.memref_slice %arg8[%dma_wait3A_320, %dma_wait3A_321, %dma_wait3A_322] : memref<2x5x40xi32, #tpu.memory_space<vmem>> -> memref<1x5x40xi32, #tpu.memory_space<vmem>>
      %dma_wait3A_324 = tpu.memref_squeeze %dma_wait3A_323 : memref<1x5x40xi32, #tpu.memory_space<vmem>> -> memref<5x40xi32, #tpu.memory_space<vmem>>
      %dma_wait3A_325 = arith.constant 0 : i32
      %dma_wait3A_326 = arith.constant 0 : i32
      %dma_wait3A_327 = tpu.memref_slice %arg3[%arg0, %arg1, %min3A_155, %dma_wait3A_325, %dma_wait3A_326] : memref<2x16x50x5x40xi32, #tpu.memory_space<hbm>> -> memref<1x1x1x5x40xi32, #tpu.memory_space<hbm>>
      %dma_wait3A_328 = tpu.memref_squeeze %dma_wait3A_327 : memref<1x1x1x5x40xi32, #tpu.memory_space<hbm>> -> memref<5x40xi32, #tpu.memory_space<hbm>>
      %dma_wait3A_329 = arith.constant 0 : i32
      %dma_wait3A_330 = arith.constant 0 : i32
      %dma_wait3A_331 = tpu.memref_slice %arg8[%dma_wait3A_320, %dma_wait3A_329, %dma_wait3A_330] : memref<2x5x40xi32, #tpu.memory_space<vmem>> -> memref<1x5x40xi32, #tpu.memory_space<vmem>>
      %dma_wait3A_332 = tpu.memref_squeeze %dma_wait3A_331 : memref<1x5x40xi32, #tpu.memory_space<vmem>> -> memref<5x40xi32, #tpu.memory_space<vmem>>
      %dma_wait3A_333 = arith.constant 0 : i32
      %dma_wait3A_334 = arith.constant 0 : i32
      %dma_wait3A_335 = tpu.memref_slice %arg3[%arg0, %arg1, %min3A_155, %dma_wait3A_333, %dma_wait3A_334] : memref<2x16x50x5x40xi32, #tpu.memory_space<hbm>> -> memref<1x1x1x5x40xi32, #tpu.memory_space<hbm>>
      %dma_wait3A_336 = tpu.memref_squeeze %dma_wait3A_335 : memref<1x1x1x5x40xi32, #tpu.memory_space<hbm>> -> memref<5x40xi32, #tpu.memory_space<hbm>>
      tpu.wait_dma2 semaphore(%arg22 : memref<!tpu.dma_semaphore, #tpu.memory_space<semaphore_mem>>) src(%dma_wait3A_336 : memref<5x40xi32, #tpu.memory_space<hbm>>) dst(%dma_wait3A_332 : memref<5x40xi32, #tpu.memory_space<vmem>>)
      %dma_wait3A_337 = arith.constant 1 : i32
      %dma_wait3A_338 = arith.constant 0 : i32
      %dma_wait3A_339 = arith.constant 0 : i32
      %dma_wait3A_340 = tpu.memref_slice %arg9[%dma_wait3A_337, %dma_wait3A_338, %dma_wait3A_339] : memref<2x5x40xi32, #tpu.memory_space<vmem>> -> memref<1x5x40xi32, #tpu.memory_space<vmem>>
      %dma_wait3A_341 = tpu.memref_squeeze %dma_wait3A_340 : memref<1x5x40xi32, #tpu.memory_space<vmem>> -> memref<5x40xi32, #tpu.memory_space<vmem>>
      %dma_wait3A_342 = arith.constant 0 : i32
      %dma_wait3A_343 = arith.constant 0 : i32
      %dma_wait3A_344 = tpu.memref_slice %arg4[%arg1, %min3A_155, %dma_wait3A_342, %dma_wait3A_343] : memref<16x50x5x40xi32, #tpu.memory_space<hbm>> -> memref<1x1x5x40xi32, #tpu.memory_space<hbm>>
      %dma_wait3A_345 = tpu.memref_squeeze %dma_wait3A_344 : memref<1x1x5x40xi32, #tpu.memory_space<hbm>> -> memref<5x40xi32, #tpu.memory_space<hbm>>
      %dma_wait3A_346 = arith.constant 0 : i32
      %dma_wait3A_347 = arith.constant 0 : i32
      %dma_wait3A_348 = tpu.memref_slice %arg9[%dma_wait3A_337, %dma_wait3A_346, %dma_wait3A_347] : memref<2x5x40xi32, #tpu.memory_space<vmem>> -> memref<1x5x40xi32, #tpu.memory_space<vmem>>
      %dma_wait3A_349 = tpu.memref_squeeze %dma_wait3A_348 : memref<1x5x40xi32, #tpu.memory_space<vmem>> -> memref<5x40xi32, #tpu.memory_space<vmem>>
      %dma_wait3A_350 = arith.constant 0 : i32
      %dma_wait3A_351 = arith.constant 0 : i32
      %dma_wait3A_352 = tpu.memref_slice %arg4[%arg1, %min3A_155, %dma_wait3A_350, %dma_wait3A_351] : memref<16x50x5x40xi32, #tpu.memory_space<hbm>> -> memref<1x1x5x40xi32, #tpu.memory_space<hbm>>
      %dma_wait3A_353 = tpu.memref_squeeze %dma_wait3A_352 : memref<1x1x5x40xi32, #tpu.memory_space<hbm>> -> memref<5x40xi32, #tpu.memory_space<hbm>>
      tpu.wait_dma2 semaphore(%arg23 : memref<!tpu.dma_semaphore, #tpu.memory_space<semaphore_mem>>) src(%dma_wait3A_353 : memref<5x40xi32, #tpu.memory_space<hbm>>) dst(%dma_wait3A_349 : memref<5x40xi32, #tpu.memory_space<vmem>>)
      %mul3A_354 = arith.constant 2 : i32
      %mul3A_355 = arith.muli %mul3A_354, %scan3A_83 : i32
      %add3A_356 = arith.constant 1 : i32
      %add3A_357 = arith.addi %mul3A_355, %add3A_356 : i32
      %gt3A_358 = arith.constant 0 : i32
      %gt3A_359 = arith.cmpi sgt, %add3A_357, %gt3A_358 : i32
      %convert_element_type3A_360 = arith.extui %gt3A_359 : i1 to i32
      %cond3A_361 = arith.constant 0 : i32
      %cond3A_362 = arith.cmpi ne, %convert_element_type3A_360, %cond3A_361 : i32
      scf.if %cond3A_362 {
        %dma_wait3A_630 = arith.constant 0 : i32
        %dma_wait3A_631 = arith.constant 0 : i32
        %dma_wait3A_632 = arith.constant 0 : i32
        %dma_wait3A_633 = arith.constant 0 : i32
        %dma_wait3A_634 = arith.constant 0 : i32
        %dma_wait3A_635 = tpu.memref_slice %arg10[%dma_wait3A_630, %dma_wait3A_633, %dma_wait3A_634] : memref<5x40x128xf32, #tpu.memory_space<vmem>> -> memref<1x40x128xf32, #tpu.memory_space<vmem>>
        %dma_wait3A_636 = tpu.memref_squeeze %dma_wait3A_635 : memref<1x40x128xf32, #tpu.memory_space<vmem>> -> memref<40x128xf32, #tpu.memory_space<vmem>>
        %dma_wait3A_637 = arith.constant 0 : i32
        %dma_wait3A_638 = tpu.memref_slice %arg9[%dma_wait3A_631, %dma_wait3A_632, %dma_wait3A_637] : memref<2x5x40xi32, #tpu.memory_space<vmem>> -> memref<1x1x40xi32, #tpu.memory_space<vmem>>
        %dma_wait3A_639 = tpu.memref_squeeze %dma_wait3A_638 : memref<1x1x40xi32, #tpu.memory_space<vmem>> -> memref<40xi32, #tpu.memory_space<vmem>>
        %dma_wait3A_640 = arith.constant 0 : i32
        %dma_wait3A_641 = arith.constant 0 : i32
        %dma_wait3A_642 = tpu.memref_slice %arg11[%dma_wait3A_640, %dma_wait3A_641] : memref<10240x128xf32, #tpu.memory_space<vmem_shared>> -> memref<10240x128xf32, #tpu.memory_space<vmem_shared>>
        tpu.wait_indirect_dma semaphore(%arg17 : memref<!tpu.dma_semaphore, #tpu.memory_space<semaphore_mem>>) src(%dma_wait3A_636 : memref<40x128xf32, #tpu.memory_space<vmem>>) dst(%dma_wait3A_642 : memref<10240x128xf32, #tpu.memory_space<vmem_shared>>)
        %dma_wait3A_643 = arith.constant 1 : i32
        %dma_wait3A_644 = arith.constant 0 : i32
        %dma_wait3A_645 = arith.constant 1 : i32
        %dma_wait3A_646 = arith.constant 0 : i32
        %dma_wait3A_647 = arith.constant 0 : i32
        %dma_wait3A_648 = tpu.memref_slice %arg10[%dma_wait3A_643, %dma_wait3A_646, %dma_wait3A_647] : memref<5x40x128xf32, #tpu.memory_space<vmem>> -> memref<1x40x128xf32, #tpu.memory_space<vmem>>
        %dma_wait3A_649 = tpu.memref_squeeze %dma_wait3A_648 : memref<1x40x128xf32, #tpu.memory_space<vmem>> -> memref<40x128xf32, #tpu.memory_space<vmem>>
        %dma_wait3A_650 = arith.constant 0 : i32
        %dma_wait3A_651 = tpu.memref_slice %arg9[%dma_wait3A_644, %dma_wait3A_645, %dma_wait3A_650] : memref<2x5x40xi32, #tpu.memory_space<vmem>> -> memref<1x1x40xi32, #tpu.memory_space<vmem>>
        %dma_wait3A_652 = tpu.memref_squeeze %dma_wait3A_651 : memref<1x1x40xi32, #tpu.memory_space<vmem>> -> memref<40xi32, #tpu.memory_space<vmem>>
        %dma_wait3A_653 = arith.constant 0 : i32
        %dma_wait3A_654 = arith.constant 0 : i32
        %dma_wait3A_655 = tpu.memref_slice %arg11[%dma_wait3A_653, %dma_wait3A_654] : memref<10240x128xf32, #tpu.memory_space<vmem_shared>> -> memref<10240x128xf32, #tpu.memory_space<vmem_shared>>
        tpu.wait_indirect_dma semaphore(%arg18 : memref<!tpu.dma_semaphore, #tpu.memory_space<semaphore_mem>>) src(%dma_wait3A_649 : memref<40x128xf32, #tpu.memory_space<vmem>>) dst(%dma_wait3A_655 : memref<10240x128xf32, #tpu.memory_space<vmem_shared>>)
        %dma_wait3A_656 = arith.constant 2 : i32
        %dma_wait3A_657 = arith.constant 0 : i32
        %dma_wait3A_658 = arith.constant 2 : i32
        %dma_wait3A_659 = arith.constant 0 : i32
        %dma_wait3A_660 = arith.constant 0 : i32
        %dma_wait3A_661 = tpu.memref_slice %arg10[%dma_wait3A_656, %dma_wait3A_659, %dma_wait3A_660] : memref<5x40x128xf32, #tpu.memory_space<vmem>> -> memref<1x40x128xf32, #tpu.memory_space<vmem>>
        %dma_wait3A_662 = tpu.memref_squeeze %dma_wait3A_661 : memref<1x40x128xf32, #tpu.memory_space<vmem>> -> memref<40x128xf32, #tpu.memory_space<vmem>>
        %dma_wait3A_663 = arith.constant 0 : i32
        %dma_wait3A_664 = tpu.memref_slice %arg9[%dma_wait3A_657, %dma_wait3A_658, %dma_wait3A_663] : memref<2x5x40xi32, #tpu.memory_space<vmem>> -> memref<1x1x40xi32, #tpu.memory_space<vmem>>
        %dma_wait3A_665 = tpu.memref_squeeze %dma_wait3A_664 : memref<1x1x40xi32, #tpu.memory_space<vmem>> -> memref<40xi32, #tpu.memory_space<vmem>>
        %dma_wait3A_666 = arith.constant 0 : i32
        %dma_wait3A_667 = arith.constant 0 : i32
        %dma_wait3A_668 = tpu.memref_slice %arg11[%dma_wait3A_666, %dma_wait3A_667] : memref<10240x128xf32, #tpu.memory_space<vmem_shared>> -> memref<10240x128xf32, #tpu.memory_space<vmem_shared>>
        tpu.wait_indirect_dma semaphore(%arg19 : memref<!tpu.dma_semaphore, #tpu.memory_space<semaphore_mem>>) src(%dma_wait3A_662 : memref<40x128xf32, #tpu.memory_space<vmem>>) dst(%dma_wait3A_668 : memref<10240x128xf32, #tpu.memory_space<vmem_shared>>)
        %dma_wait3A_669 = arith.constant 3 : i32
        %dma_wait3A_670 = arith.constant 0 : i32
        %dma_wait3A_671 = arith.constant 3 : i32
        %dma_wait3A_672 = arith.constant 0 : i32
        %dma_wait3A_673 = arith.constant 0 : i32
        %dma_wait3A_674 = tpu.memref_slice %arg10[%dma_wait3A_669, %dma_wait3A_672, %dma_wait3A_673] : memref<5x40x128xf32, #tpu.memory_space<vmem>> -> memref<1x40x128xf32, #tpu.memory_space<vmem>>
        %dma_wait3A_675 = tpu.memref_squeeze %dma_wait3A_674 : memref<1x40x128xf32, #tpu.memory_space<vmem>> -> memref<40x128xf32, #tpu.memory_space<vmem>>
        %dma_wait3A_676 = arith.constant 0 : i32
        %dma_wait3A_677 = tpu.memref_slice %arg9[%dma_wait3A_670, %dma_wait3A_671, %dma_wait3A_676] : memref<2x5x40xi32, #tpu.memory_space<vmem>> -> memref<1x1x40xi32, #tpu.memory_space<vmem>>
        %dma_wait3A_678 = tpu.memref_squeeze %dma_wait3A_677 : memref<1x1x40xi32, #tpu.memory_space<vmem>> -> memref<40xi32, #tpu.memory_space<vmem>>
        %dma_wait3A_679 = arith.constant 0 : i32
        %dma_wait3A_680 = arith.constant 0 : i32
        %dma_wait3A_681 = tpu.memref_slice %arg11[%dma_wait3A_679, %dma_wait3A_680] : memref<10240x128xf32, #tpu.memory_space<vmem_shared>> -> memref<10240x128xf32, #tpu.memory_space<vmem_shared>>
        tpu.wait_indirect_dma semaphore(%arg20 : memref<!tpu.dma_semaphore, #tpu.memory_space<semaphore_mem>>) src(%dma_wait3A_675 : memref<40x128xf32, #tpu.memory_space<vmem>>) dst(%dma_wait3A_681 : memref<10240x128xf32, #tpu.memory_space<vmem_shared>>)
        %dma_wait3A_682 = arith.constant 4 : i32
        %dma_wait3A_683 = arith.constant 0 : i32
        %dma_wait3A_684 = arith.constant 4 : i32
        %dma_wait3A_685 = arith.constant 0 : i32
        %dma_wait3A_686 = arith.constant 0 : i32
        %dma_wait3A_687 = tpu.memref_slice %arg10[%dma_wait3A_682, %dma_wait3A_685, %dma_wait3A_686] : memref<5x40x128xf32, #tpu.memory_space<vmem>> -> memref<1x40x128xf32, #tpu.memory_space<vmem>>
        %dma_wait3A_688 = tpu.memref_squeeze %dma_wait3A_687 : memref<1x40x128xf32, #tpu.memory_space<vmem>> -> memref<40x128xf32, #tpu.memory_space<vmem>>
        %dma_wait3A_689 = arith.constant 0 : i32
        %dma_wait3A_690 = tpu.memref_slice %arg9[%dma_wait3A_683, %dma_wait3A_684, %dma_wait3A_689] : memref<2x5x40xi32, #tpu.memory_space<vmem>> -> memref<1x1x40xi32, #tpu.memory_space<vmem>>
        %dma_wait3A_691 = tpu.memref_squeeze %dma_wait3A_690 : memref<1x1x40xi32, #tpu.memory_space<vmem>> -> memref<40xi32, #tpu.memory_space<vmem>>
        %dma_wait3A_692 = arith.constant 0 : i32
        %dma_wait3A_693 = arith.constant 0 : i32
        %dma_wait3A_694 = tpu.memref_slice %arg11[%dma_wait3A_692, %dma_wait3A_693] : memref<10240x128xf32, #tpu.memory_space<vmem_shared>> -> memref<10240x128xf32, #tpu.memory_space<vmem_shared>>
        tpu.wait_indirect_dma semaphore(%arg21 : memref<!tpu.dma_semaphore, #tpu.memory_space<semaphore_mem>>) src(%dma_wait3A_688 : memref<40x128xf32, #tpu.memory_space<vmem>>) dst(%dma_wait3A_694 : memref<10240x128xf32, #tpu.memory_space<vmem_shared>>)
      } else {
      }
      %dma_start3A_363 = arith.constant 1 : i32
      %dma_start3A_364 = arith.constant 0 : i32
      %dma_start3A_365 = arith.constant 0 : i32
      %dma_start3A_366 = arith.constant 0 : i32
      %dma_start3A_367 = arith.constant 0 : i32
      %dma_start3A_368 = tpu.memref_slice %arg10[%dma_start3A_365, %dma_start3A_366, %dma_start3A_367] : memref<5x40x128xf32, #tpu.memory_space<vmem>> -> memref<1x40x128xf32, #tpu.memory_space<vmem>>
      %dma_start3A_369 = tpu.memref_squeeze %dma_start3A_368 : memref<1x40x128xf32, #tpu.memory_space<vmem>> -> memref<40x128xf32, #tpu.memory_space<vmem>>
      %dma_start3A_370 = arith.constant 0 : i32
      %dma_start3A_371 = tpu.memref_slice %arg8[%dma_start3A_363, %dma_start3A_364, %dma_start3A_370] : memref<2x5x40xi32, #tpu.memory_space<vmem>> -> memref<1x1x40xi32, #tpu.memory_space<vmem>>
      %dma_start3A_372 = tpu.memref_squeeze %dma_start3A_371 : memref<1x1x40xi32, #tpu.memory_space<vmem>> -> memref<40xi32, #tpu.memory_space<vmem>>
      %dma_start3A_373 = arith.constant 0 : i32
      %dma_start3A_374 = arith.constant 0 : i32
      %dma_start3A_375 = tpu.memref_slice %arg2[%dma_start3A_373, %dma_start3A_374] : memref<20000x128xf32, #tpu.memory_space<hbm>> -> memref<20000x128xf32, #tpu.memory_space<hbm>>
      tpu.enqueue_indirect_dma source(%dma_start3A_375 : memref<20000x128xf32, #tpu.memory_space<hbm>>) target(%dma_start3A_369 : memref<40x128xf32, #tpu.memory_space<vmem>>) offsets(%dma_start3A_372 : memref<40xi32, #tpu.memory_space<vmem>>) semaphore(%arg12 : memref<!tpu.dma_semaphore, #tpu.memory_space<semaphore_mem>>)
      %dma_start3A_376 = arith.constant 1 : i32
      %dma_start3A_377 = arith.constant 1 : i32
      %dma_start3A_378 = arith.constant 1 : i32
      %dma_start3A_379 = arith.constant 0 : i32
      %dma_start3A_380 = arith.constant 0 : i32
      %dma_start3A_381 = tpu.memref_slice %arg10[%dma_start3A_378, %dma_start3A_379, %dma_start3A_380] : memref<5x40x128xf32, #tpu.memory_space<vmem>> -> memref<1x40x128xf32, #tpu.memory_space<vmem>>
      %dma_start3A_382 = tpu.memref_squeeze %dma_start3A_381 : memref<1x40x128xf32, #tpu.memory_space<vmem>> -> memref<40x128xf32, #tpu.memory_space<vmem>>
      %dma_start3A_383 = arith.constant 0 : i32
      %dma_start3A_384 = tpu.memref_slice %arg8[%dma_start3A_376, %dma_start3A_377, %dma_start3A_383] : memref<2x5x40xi32, #tpu.memory_space<vmem>> -> memref<1x1x40xi32, #tpu.memory_space<vmem>>
      %dma_start3A_385 = tpu.memref_squeeze %dma_start3A_384 : memref<1x1x40xi32, #tpu.memory_space<vmem>> -> memref<40xi32, #tpu.memory_space<vmem>>
      %dma_start3A_386 = arith.constant 0 : i32
      %dma_start3A_387 = arith.constant 0 : i32
      %dma_start3A_388 = tpu.memref_slice %arg2[%dma_start3A_386, %dma_start3A_387] : memref<20000x128xf32, #tpu.memory_space<hbm>> -> memref<20000x128xf32, #tpu.memory_space<hbm>>
      tpu.enqueue_indirect_dma source(%dma_start3A_388 : memref<20000x128xf32, #tpu.memory_space<hbm>>) target(%dma_start3A_382 : memref<40x128xf32, #tpu.memory_space<vmem>>) offsets(%dma_start3A_385 : memref<40xi32, #tpu.memory_space<vmem>>) semaphore(%arg13 : memref<!tpu.dma_semaphore, #tpu.memory_space<semaphore_mem>>)
      %dma_start3A_389 = arith.constant 1 : i32
      %dma_start3A_390 = arith.constant 2 : i32
      %dma_start3A_391 = arith.constant 2 : i32
      %dma_start3A_392 = arith.constant 0 : i32
      %dma_start3A_393 = arith.constant 0 : i32
      %dma_start3A_394 = tpu.memref_slice %arg10[%dma_start3A_391, %dma_start3A_392, %dma_start3A_393] : memref<5x40x128xf32, #tpu.memory_space<vmem>> -> memref<1x40x128xf32, #tpu.memory_space<vmem>>
      %dma_start3A_395 = tpu.memref_squeeze %dma_start3A_394 : memref<1x40x128xf32, #tpu.memory_space<vmem>> -> memref<40x128xf32, #tpu.memory_space<vmem>>
      %dma_start3A_396 = arith.constant 0 : i32
      %dma_start3A_397 = tpu.memref_slice %arg8[%dma_start3A_389, %dma_start3A_390, %dma_start3A_396] : memref<2x5x40xi32, #tpu.memory_space<vmem>> -> memref<1x1x40xi32, #tpu.memory_space<vmem>>
      %dma_start3A_398 = tpu.memref_squeeze %dma_start3A_397 : memref<1x1x40xi32, #tpu.memory_space<vmem>> -> memref<40xi32, #tpu.memory_space<vmem>>
      %dma_start3A_399 = arith.constant 0 : i32
      %dma_start3A_400 = arith.constant 0 : i32
      %dma_start3A_401 = tpu.memref_slice %arg2[%dma_start3A_399, %dma_start3A_400] : memref<20000x128xf32, #tpu.memory_space<hbm>> -> memref<20000x128xf32, #tpu.memory_space<hbm>>
      tpu.enqueue_indirect_dma source(%dma_start3A_401 : memref<20000x128xf32, #tpu.memory_space<hbm>>) target(%dma_start3A_395 : memref<40x128xf32, #tpu.memory_space<vmem>>) offsets(%dma_start3A_398 : memref<40xi32, #tpu.memory_space<vmem>>) semaphore(%arg14 : memref<!tpu.dma_semaphore, #tpu.memory_space<semaphore_mem>>)
      %dma_start3A_402 = arith.constant 1 : i32
      %dma_start3A_403 = arith.constant 3 : i32
      %dma_start3A_404 = arith.constant 3 : i32
      %dma_start3A_405 = arith.constant 0 : i32
      %dma_start3A_406 = arith.constant 0 : i32
      %dma_start3A_407 = tpu.memref_slice %arg10[%dma_start3A_404, %dma_start3A_405, %dma_start3A_406] : memref<5x40x128xf32, #tpu.memory_space<vmem>> -> memref<1x40x128xf32, #tpu.memory_space<vmem>>
      %dma_start3A_408 = tpu.memref_squeeze %dma_start3A_407 : memref<1x40x128xf32, #tpu.memory_space<vmem>> -> memref<40x128xf32, #tpu.memory_space<vmem>>
      %dma_start3A_409 = arith.constant 0 : i32
      %dma_start3A_410 = tpu.memref_slice %arg8[%dma_start3A_402, %dma_start3A_403, %dma_start3A_409] : memref<2x5x40xi32, #tpu.memory_space<vmem>> -> memref<1x1x40xi32, #tpu.memory_space<vmem>>
      %dma_start3A_411 = tpu.memref_squeeze %dma_start3A_410 : memref<1x1x40xi32, #tpu.memory_space<vmem>> -> memref<40xi32, #tpu.memory_space<vmem>>
      %dma_start3A_412 = arith.constant 0 : i32
      %dma_start3A_413 = arith.constant 0 : i32
      %dma_start3A_414 = tpu.memref_slice %arg2[%dma_start3A_412, %dma_start3A_413] : memref<20000x128xf32, #tpu.memory_space<hbm>> -> memref<20000x128xf32, #tpu.memory_space<hbm>>
      tpu.enqueue_indirect_dma source(%dma_start3A_414 : memref<20000x128xf32, #tpu.memory_space<hbm>>) target(%dma_start3A_408 : memref<40x128xf32, #tpu.memory_space<vmem>>) offsets(%dma_start3A_411 : memref<40xi32, #tpu.memory_space<vmem>>) semaphore(%arg15 : memref<!tpu.dma_semaphore, #tpu.memory_space<semaphore_mem>>)
      %dma_start3A_415 = arith.constant 1 : i32
      %dma_start3A_416 = arith.constant 4 : i32
      %dma_start3A_417 = arith.constant 4 : i32
      %dma_start3A_418 = arith.constant 0 : i32
      %dma_start3A_419 = arith.constant 0 : i32
      %dma_start3A_420 = tpu.memref_slice %arg10[%dma_start3A_417, %dma_start3A_418, %dma_start3A_419] : memref<5x40x128xf32, #tpu.memory_space<vmem>> -> memref<1x40x128xf32, #tpu.memory_space<vmem>>
      %dma_start3A_421 = tpu.memref_squeeze %dma_start3A_420 : memref<1x40x128xf32, #tpu.memory_space<vmem>> -> memref<40x128xf32, #tpu.memory_space<vmem>>
      %dma_start3A_422 = arith.constant 0 : i32
      %dma_start3A_423 = tpu.memref_slice %arg8[%dma_start3A_415, %dma_start3A_416, %dma_start3A_422] : memref<2x5x40xi32, #tpu.memory_space<vmem>> -> memref<1x1x40xi32, #tpu.memory_space<vmem>>
      %dma_start3A_424 = tpu.memref_squeeze %dma_start3A_423 : memref<1x1x40xi32, #tpu.memory_space<vmem>> -> memref<40xi32, #tpu.memory_space<vmem>>
      %dma_start3A_425 = arith.constant 0 : i32
      %dma_start3A_426 = arith.constant 0 : i32
      %dma_start3A_427 = tpu.memref_slice %arg2[%dma_start3A_425, %dma_start3A_426] : memref<20000x128xf32, #tpu.memory_space<hbm>> -> memref<20000x128xf32, #tpu.memory_space<hbm>>
      tpu.enqueue_indirect_dma source(%dma_start3A_427 : memref<20000x128xf32, #tpu.memory_space<hbm>>) target(%dma_start3A_421 : memref<40x128xf32, #tpu.memory_space<vmem>>) offsets(%dma_start3A_424 : memref<40xi32, #tpu.memory_space<vmem>>) semaphore(%arg16 : memref<!tpu.dma_semaphore, #tpu.memory_space<semaphore_mem>>)
      %add3A_428 = arith.constant 1 : i32
      %add3A_429 = arith.addi %add3A_357, %add3A_428 : i32
      %min3A_430 = arith.constant 49 : i32
      %min3A_431 = arith.minsi %add3A_429, %min3A_430 : i32
      %dma_start3A_432 = arith.constant 0 : i32
      %dma_start3A_433 = arith.constant 0 : i32
      %dma_start3A_434 = arith.constant 0 : i32
      %dma_start3A_435 = tpu.memref_slice %arg8[%dma_start3A_432, %dma_start3A_433, %dma_start3A_434] : memref<2x5x40xi32, #tpu.memory_space<vmem>> -> memref<1x5x40xi32, #tpu.memory_space<vmem>>
      %dma_start3A_436 = tpu.memref_squeeze %dma_start3A_435 : memref<1x5x40xi32, #tpu.memory_space<vmem>> -> memref<5x40xi32, #tpu.memory_space<vmem>>
      %dma_start3A_437 = arith.constant 0 : i32
      %dma_start3A_438 = arith.constant 0 : i32
      %dma_start3A_439 = tpu.memref_slice %arg3[%arg0, %arg1, %min3A_431, %dma_start3A_437, %dma_start3A_438] : memref<2x16x50x5x40xi32, #tpu.memory_space<hbm>> -> memref<1x1x1x5x40xi32, #tpu.memory_space<hbm>>
      %dma_start3A_440 = tpu.memref_squeeze %dma_start3A_439 : memref<1x1x1x5x40xi32, #tpu.memory_space<hbm>> -> memref<5x40xi32, #tpu.memory_space<hbm>>
      %dma_start3A_441 = arith.constant 0 : i32
      %dma_start3A_442 = arith.constant 0 : i32
      %dma_start3A_443 = tpu.memref_slice %arg8[%dma_start3A_432, %dma_start3A_441, %dma_start3A_442] : memref<2x5x40xi32, #tpu.memory_space<vmem>> -> memref<1x5x40xi32, #tpu.memory_space<vmem>>
      %dma_start3A_444 = tpu.memref_squeeze %dma_start3A_443 : memref<1x5x40xi32, #tpu.memory_space<vmem>> -> memref<5x40xi32, #tpu.memory_space<vmem>>
      %dma_start3A_445 = arith.constant 0 : i32
      %dma_start3A_446 = arith.constant 0 : i32
      %dma_start3A_447 = tpu.memref_slice %arg3[%arg0, %arg1, %min3A_431, %dma_start3A_445, %dma_start3A_446] : memref<2x16x50x5x40xi32, #tpu.memory_space<hbm>> -> memref<1x1x1x5x40xi32, #tpu.memory_space<hbm>>
      %dma_start3A_448 = tpu.memref_squeeze %dma_start3A_447 : memref<1x1x1x5x40xi32, #tpu.memory_space<hbm>> -> memref<5x40xi32, #tpu.memory_space<hbm>>
      tpu.enqueue_dma source(%dma_start3A_448 : memref<5x40xi32, #tpu.memory_space<hbm>>) target(%dma_start3A_444 : memref<5x40xi32, #tpu.memory_space<vmem>>) target_semaphore(%arg22 : memref<!tpu.dma_semaphore, #tpu.memory_space<semaphore_mem>>)
      %dma_start3A_449 = arith.constant 0 : i32
      %dma_start3A_450 = arith.constant 0 : i32
      %dma_start3A_451 = arith.constant 0 : i32
      %dma_start3A_452 = tpu.memref_slice %arg9[%dma_start3A_449, %dma_start3A_450, %dma_start3A_451] : memref<2x5x40xi32, #tpu.memory_space<vmem>> -> memref<1x5x40xi32, #tpu.memory_space<vmem>>
      %dma_start3A_453 = tpu.memref_squeeze %dma_start3A_452 : memref<1x5x40xi32, #tpu.memory_space<vmem>> -> memref<5x40xi32, #tpu.memory_space<vmem>>
      %dma_start3A_454 = arith.constant 0 : i32
      %dma_start3A_455 = arith.constant 0 : i32
      %dma_start3A_456 = tpu.memref_slice %arg4[%arg1, %min3A_431, %dma_start3A_454, %dma_start3A_455] : memref<16x50x5x40xi32, #tpu.memory_space<hbm>> -> memref<1x1x5x40xi32, #tpu.memory_space<hbm>>
      %dma_start3A_457 = tpu.memref_squeeze %dma_start3A_456 : memref<1x1x5x40xi32, #tpu.memory_space<hbm>> -> memref<5x40xi32, #tpu.memory_space<hbm>>
      %dma_start3A_458 = arith.constant 0 : i32
      %dma_start3A_459 = arith.constant 0 : i32
      %dma_start3A_460 = tpu.memref_slice %arg9[%dma_start3A_449, %dma_start3A_458, %dma_start3A_459] : memref<2x5x40xi32, #tpu.memory_space<vmem>> -> memref<1x5x40xi32, #tpu.memory_space<vmem>>
      %dma_start3A_461 = tpu.memref_squeeze %dma_start3A_460 : memref<1x5x40xi32, #tpu.memory_space<vmem>> -> memref<5x40xi32, #tpu.memory_space<vmem>>
      %dma_start3A_462 = arith.constant 0 : i32
      %dma_start3A_463 = arith.constant 0 : i32
      %dma_start3A_464 = tpu.memref_slice %arg4[%arg1, %min3A_431, %dma_start3A_462, %dma_start3A_463] : memref<16x50x5x40xi32, #tpu.memory_space<hbm>> -> memref<1x1x5x40xi32, #tpu.memory_space<hbm>>
      %dma_start3A_465 = tpu.memref_squeeze %dma_start3A_464 : memref<1x1x5x40xi32, #tpu.memory_space<hbm>> -> memref<5x40xi32, #tpu.memory_space<hbm>>
      tpu.enqueue_dma source(%dma_start3A_465 : memref<5x40xi32, #tpu.memory_space<hbm>>) target(%dma_start3A_461 : memref<5x40xi32, #tpu.memory_space<vmem>>) target_semaphore(%arg23 : memref<!tpu.dma_semaphore, #tpu.memory_space<semaphore_mem>>)
      %dma_wait3A_466 = arith.constant 1 : i32
      %dma_wait3A_467 = arith.constant 0 : i32
      %dma_wait3A_468 = arith.constant 0 : i32
      %dma_wait3A_469 = arith.constant 0 : i32
      %dma_wait3A_470 = arith.constant 0 : i32
      %dma_wait3A_471 = tpu.memref_slice %arg10[%dma_wait3A_468, %dma_wait3A_469, %dma_wait3A_470] : memref<5x40x128xf32, #tpu.memory_space<vmem>> -> memref<1x40x128xf32, #tpu.memory_space<vmem>>
      %dma_wait3A_472 = tpu.memref_squeeze %dma_wait3A_471 : memref<1x40x128xf32, #tpu.memory_space<vmem>> -> memref<40x128xf32, #tpu.memory_space<vmem>>
      %dma_wait3A_473 = arith.constant 0 : i32
      %dma_wait3A_474 = tpu.memref_slice %arg8[%dma_wait3A_466, %dma_wait3A_467, %dma_wait3A_473] : memref<2x5x40xi32, #tpu.memory_space<vmem>> -> memref<1x1x40xi32, #tpu.memory_space<vmem>>
      %dma_wait3A_475 = tpu.memref_squeeze %dma_wait3A_474 : memref<1x1x40xi32, #tpu.memory_space<vmem>> -> memref<40xi32, #tpu.memory_space<vmem>>
      %dma_wait3A_476 = arith.constant 0 : i32
      %dma_wait3A_477 = arith.constant 0 : i32
      %dma_wait3A_478 = tpu.memref_slice %arg2[%dma_wait3A_476, %dma_wait3A_477] : memref<20000x128xf32, #tpu.memory_space<hbm>> -> memref<20000x128xf32, #tpu.memory_space<hbm>>
      tpu.wait_indirect_dma semaphore(%arg12 : memref<!tpu.dma_semaphore, #tpu.memory_space<semaphore_mem>>) src(%dma_wait3A_478 : memref<20000x128xf32, #tpu.memory_space<hbm>>) dst(%dma_wait3A_472 : memref<40x128xf32, #tpu.memory_space<vmem>>)
      %dma_start3A_479 = arith.constant 0 : i32
      %dma_start3A_480 = arith.constant 1 : i32
      %dma_start3A_481 = arith.constant 0 : i32
      %dma_start3A_482 = arith.constant 0 : i32
      %dma_start3A_483 = arith.constant 0 : i32
      %dma_start3A_484 = tpu.memref_slice %arg10[%dma_start3A_479, %dma_start3A_482, %dma_start3A_483] : memref<5x40x128xf32, #tpu.memory_space<vmem>> -> memref<1x40x128xf32, #tpu.memory_space<vmem>>
      %dma_start3A_485 = tpu.memref_squeeze %dma_start3A_484 : memref<1x40x128xf32, #tpu.memory_space<vmem>> -> memref<40x128xf32, #tpu.memory_space<vmem>>
      %dma_start3A_486 = arith.constant 0 : i32
      %dma_start3A_487 = tpu.memref_slice %arg9[%dma_start3A_480, %dma_start3A_481, %dma_start3A_486] : memref<2x5x40xi32, #tpu.memory_space<vmem>> -> memref<1x1x40xi32, #tpu.memory_space<vmem>>
      %dma_start3A_488 = tpu.memref_squeeze %dma_start3A_487 : memref<1x1x40xi32, #tpu.memory_space<vmem>> -> memref<40xi32, #tpu.memory_space<vmem>>
      %dma_start3A_489 = arith.constant 0 : i32
      %dma_start3A_490 = arith.constant 0 : i32
      %dma_start3A_491 = tpu.memref_slice %arg11[%dma_start3A_489, %dma_start3A_490] : memref<10240x128xf32, #tpu.memory_space<vmem_shared>> -> memref<10240x128xf32, #tpu.memory_space<vmem_shared>>
      tpu.enqueue_indirect_dma source(%dma_start3A_485 : memref<40x128xf32, #tpu.memory_space<vmem>>) target(%dma_start3A_491 : memref<10240x128xf32, #tpu.memory_space<vmem_shared>>) offsets(%dma_start3A_488 : memref<40xi32, #tpu.memory_space<vmem>>) semaphore(%arg17 : memref<!tpu.dma_semaphore, #tpu.memory_space<semaphore_mem>>) {add = true}
      %dma_wait3A_492 = arith.constant 1 : i32
      %dma_wait3A_493 = arith.constant 1 : i32
      %dma_wait3A_494 = arith.constant 1 : i32
      %dma_wait3A_495 = arith.constant 0 : i32
      %dma_wait3A_496 = arith.constant 0 : i32
      %dma_wait3A_497 = tpu.memref_slice %arg10[%dma_wait3A_494, %dma_wait3A_495, %dma_wait3A_496] : memref<5x40x128xf32, #tpu.memory_space<vmem>> -> memref<1x40x128xf32, #tpu.memory_space<vmem>>
      %dma_wait3A_498 = tpu.memref_squeeze %dma_wait3A_497 : memref<1x40x128xf32, #tpu.memory_space<vmem>> -> memref<40x128xf32, #tpu.memory_space<vmem>>
      %dma_wait3A_499 = arith.constant 0 : i32
      %dma_wait3A_500 = tpu.memref_slice %arg8[%dma_wait3A_492, %dma_wait3A_493, %dma_wait3A_499] : memref<2x5x40xi32, #tpu.memory_space<vmem>> -> memref<1x1x40xi32, #tpu.memory_space<vmem>>
      %dma_wait3A_501 = tpu.memref_squeeze %dma_wait3A_500 : memref<1x1x40xi32, #tpu.memory_space<vmem>> -> memref<40xi32, #tpu.memory_space<vmem>>
      %dma_wait3A_502 = arith.constant 0 : i32
      %dma_wait3A_503 = arith.constant 0 : i32
      %dma_wait3A_504 = tpu.memref_slice %arg2[%dma_wait3A_502, %dma_wait3A_503] : memref<20000x128xf32, #tpu.memory_space<hbm>> -> memref<20000x128xf32, #tpu.memory_space<hbm>>
      tpu.wait_indirect_dma semaphore(%arg13 : memref<!tpu.dma_semaphore, #tpu.memory_space<semaphore_mem>>) src(%dma_wait3A_504 : memref<20000x128xf32, #tpu.memory_space<hbm>>) dst(%dma_wait3A_498 : memref<40x128xf32, #tpu.memory_space<vmem>>)
      %dma_start3A_505 = arith.constant 1 : i32
      %dma_start3A_506 = arith.constant 1 : i32
      %dma_start3A_507 = arith.constant 1 : i32
      %dma_start3A_508 = arith.constant 0 : i32
      %dma_start3A_509 = arith.constant 0 : i32
      %dma_start3A_510 = tpu.memref_slice %arg10[%dma_start3A_505, %dma_start3A_508, %dma_start3A_509] : memref<5x40x128xf32, #tpu.memory_space<vmem>> -> memref<1x40x128xf32, #tpu.memory_space<vmem>>
      %dma_start3A_511 = tpu.memref_squeeze %dma_start3A_510 : memref<1x40x128xf32, #tpu.memory_space<vmem>> -> memref<40x128xf32, #tpu.memory_space<vmem>>
      %dma_start3A_512 = arith.constant 0 : i32
      %dma_start3A_513 = tpu.memref_slice %arg9[%dma_start3A_506, %dma_start3A_507, %dma_start3A_512] : memref<2x5x40xi32, #tpu.memory_space<vmem>> -> memref<1x1x40xi32, #tpu.memory_space<vmem>>
      %dma_start3A_514 = tpu.memref_squeeze %dma_start3A_513 : memref<1x1x40xi32, #tpu.memory_space<vmem>> -> memref<40xi32, #tpu.memory_space<vmem>>
      %dma_start3A_515 = arith.constant 0 : i32
      %dma_start3A_516 = arith.constant 0 : i32
      %dma_start3A_517 = tpu.memref_slice %arg11[%dma_start3A_515, %dma_start3A_516] : memref<10240x128xf32, #tpu.memory_space<vmem_shared>> -> memref<10240x128xf32, #tpu.memory_space<vmem_shared>>
      tpu.enqueue_indirect_dma source(%dma_start3A_511 : memref<40x128xf32, #tpu.memory_space<vmem>>) target(%dma_start3A_517 : memref<10240x128xf32, #tpu.memory_space<vmem_shared>>) offsets(%dma_start3A_514 : memref<40xi32, #tpu.memory_space<vmem>>) semaphore(%arg18 : memref<!tpu.dma_semaphore, #tpu.memory_space<semaphore_mem>>) {add = true}
      %dma_wait3A_518 = arith.constant 1 : i32
      %dma_wait3A_519 = arith.constant 2 : i32
      %dma_wait3A_520 = arith.constant 2 : i32
      %dma_wait3A_521 = arith.constant 0 : i32
      %dma_wait3A_522 = arith.constant 0 : i32
      %dma_wait3A_523 = tpu.memref_slice %arg10[%dma_wait3A_520, %dma_wait3A_521, %dma_wait3A_522] : memref<5x40x128xf32, #tpu.memory_space<vmem>> -> memref<1x40x128xf32, #tpu.memory_space<vmem>>
      %dma_wait3A_524 = tpu.memref_squeeze %dma_wait3A_523 : memref<1x40x128xf32, #tpu.memory_space<vmem>> -> memref<40x128xf32, #tpu.memory_space<vmem>>
      %dma_wait3A_525 = arith.constant 0 : i32
      %dma_wait3A_526 = tpu.memref_slice %arg8[%dma_wait3A_518, %dma_wait3A_519, %dma_wait3A_525] : memref<2x5x40xi32, #tpu.memory_space<vmem>> -> memref<1x1x40xi32, #tpu.memory_space<vmem>>
      %dma_wait3A_527 = tpu.memref_squeeze %dma_wait3A_526 : memref<1x1x40xi32, #tpu.memory_space<vmem>> -> memref<40xi32, #tpu.memory_space<vmem>>
      %dma_wait3A_528 = arith.constant 0 : i32
      %dma_wait3A_529 = arith.constant 0 : i32
      %dma_wait3A_530 = tpu.memref_slice %arg2[%dma_wait3A_528, %dma_wait3A_529] : memref<20000x128xf32, #tpu.memory_space<hbm>> -> memref<20000x128xf32, #tpu.memory_space<hbm>>
      tpu.wait_indirect_dma semaphore(%arg14 : memref<!tpu.dma_semaphore, #tpu.memory_space<semaphore_mem>>) src(%dma_wait3A_530 : memref<20000x128xf32, #tpu.memory_space<hbm>>) dst(%dma_wait3A_524 : memref<40x128xf32, #tpu.memory_space<vmem>>)
      %dma_start3A_531 = arith.constant 2 : i32
      %dma_start3A_532 = arith.constant 1 : i32
      %dma_start3A_533 = arith.constant 2 : i32
      %dma_start3A_534 = arith.constant 0 : i32
      %dma_start3A_535 = arith.constant 0 : i32
      %dma_start3A_536 = tpu.memref_slice %arg10[%dma_start3A_531, %dma_start3A_534, %dma_start3A_535] : memref<5x40x128xf32, #tpu.memory_space<vmem>> -> memref<1x40x128xf32, #tpu.memory_space<vmem>>
      %dma_start3A_537 = tpu.memref_squeeze %dma_start3A_536 : memref<1x40x128xf32, #tpu.memory_space<vmem>> -> memref<40x128xf32, #tpu.memory_space<vmem>>
      %dma_start3A_538 = arith.constant 0 : i32
      %dma_start3A_539 = tpu.memref_slice %arg9[%dma_start3A_532, %dma_start3A_533, %dma_start3A_538] : memref<2x5x40xi32, #tpu.memory_space<vmem>> -> memref<1x1x40xi32, #tpu.memory_space<vmem>>
      %dma_start3A_540 = tpu.memref_squeeze %dma_start3A_539 : memref<1x1x40xi32, #tpu.memory_space<vmem>> -> memref<40xi32, #tpu.memory_space<vmem>>
      %dma_start3A_541 = arith.constant 0 : i32
      %dma_start3A_542 = arith.constant 0 : i32
      %dma_start3A_543 = tpu.memref_slice %arg11[%dma_start3A_541, %dma_start3A_542] : memref<10240x128xf32, #tpu.memory_space<vmem_shared>> -> memref<10240x128xf32, #tpu.memory_space<vmem_shared>>
      tpu.enqueue_indirect_dma source(%dma_start3A_537 : memref<40x128xf32, #tpu.memory_space<vmem>>) target(%dma_start3A_543 : memref<10240x128xf32, #tpu.memory_space<vmem_shared>>) offsets(%dma_start3A_540 : memref<40xi32, #tpu.memory_space<vmem>>) semaphore(%arg19 : memref<!tpu.dma_semaphore, #tpu.memory_space<semaphore_mem>>) {add = true}
      %dma_wait3A_544 = arith.constant 1 : i32
      %dma_wait3A_545 = arith.constant 3 : i32
      %dma_wait3A_546 = arith.constant 3 : i32
      %dma_wait3A_547 = arith.constant 0 : i32
      %dma_wait3A_548 = arith.constant 0 : i32
      %dma_wait3A_549 = tpu.memref_slice %arg10[%dma_wait3A_546, %dma_wait3A_547, %dma_wait3A_548] : memref<5x40x128xf32, #tpu.memory_space<vmem>> -> memref<1x40x128xf32, #tpu.memory_space<vmem>>
      %dma_wait3A_550 = tpu.memref_squeeze %dma_wait3A_549 : memref<1x40x128xf32, #tpu.memory_space<vmem>> -> memref<40x128xf32, #tpu.memory_space<vmem>>
      %dma_wait3A_551 = arith.constant 0 : i32
      %dma_wait3A_552 = tpu.memref_slice %arg8[%dma_wait3A_544, %dma_wait3A_545, %dma_wait3A_551] : memref<2x5x40xi32, #tpu.memory_space<vmem>> -> memref<1x1x40xi32, #tpu.memory_space<vmem>>
      %dma_wait3A_553 = tpu.memref_squeeze %dma_wait3A_552 : memref<1x1x40xi32, #tpu.memory_space<vmem>> -> memref<40xi32, #tpu.memory_space<vmem>>
      %dma_wait3A_554 = arith.constant 0 : i32
      %dma_wait3A_555 = arith.constant 0 : i32
      %dma_wait3A_556 = tpu.memref_slice %arg2[%dma_wait3A_554, %dma_wait3A_555] : memref<20000x128xf32, #tpu.memory_space<hbm>> -> memref<20000x128xf32, #tpu.memory_space<hbm>>
      tpu.wait_indirect_dma semaphore(%arg15 : memref<!tpu.dma_semaphore, #tpu.memory_space<semaphore_mem>>) src(%dma_wait3A_556 : memref<20000x128xf32, #tpu.memory_space<hbm>>) dst(%dma_wait3A_550 : memref<40x128xf32, #tpu.memory_space<vmem>>)
      %dma_start3A_557 = arith.constant 3 : i32
      %dma_start3A_558 = arith.constant 1 : i32
      %dma_start3A_559 = arith.constant 3 : i32
      %dma_start3A_560 = arith.constant 0 : i32
      %dma_start3A_561 = arith.constant 0 : i32
      %dma_start3A_562 = tpu.memref_slice %arg10[%dma_start3A_557, %dma_start3A_560, %dma_start3A_561] : memref<5x40x128xf32, #tpu.memory_space<vmem>> -> memref<1x40x128xf32, #tpu.memory_space<vmem>>
      %dma_start3A_563 = tpu.memref_squeeze %dma_start3A_562 : memref<1x40x128xf32, #tpu.memory_space<vmem>> -> memref<40x128xf32, #tpu.memory_space<vmem>>
      %dma_start3A_564 = arith.constant 0 : i32
      %dma_start3A_565 = tpu.memref_slice %arg9[%dma_start3A_558, %dma_start3A_559, %dma_start3A_564] : memref<2x5x40xi32, #tpu.memory_space<vmem>> -> memref<1x1x40xi32, #tpu.memory_space<vmem>>
      %dma_start3A_566 = tpu.memref_squeeze %dma_start3A_565 : memref<1x1x40xi32, #tpu.memory_space<vmem>> -> memref<40xi32, #tpu.memory_space<vmem>>
      %dma_start3A_567 = arith.constant 0 : i32
      %dma_start3A_568 = arith.constant 0 : i32
      %dma_start3A_569 = tpu.memref_slice %arg11[%dma_start3A_567, %dma_start3A_568] : memref<10240x128xf32, #tpu.memory_space<vmem_shared>> -> memref<10240x128xf32, #tpu.memory_space<vmem_shared>>
      tpu.enqueue_indirect_dma source(%dma_start3A_563 : memref<40x128xf32, #tpu.memory_space<vmem>>) target(%dma_start3A_569 : memref<10240x128xf32, #tpu.memory_space<vmem_shared>>) offsets(%dma_start3A_566 : memref<40xi32, #tpu.memory_space<vmem>>) semaphore(%arg20 : memref<!tpu.dma_semaphore, #tpu.memory_space<semaphore_mem>>) {add = true}
      %dma_wait3A_570 = arith.constant 1 : i32
      %dma_wait3A_571 = arith.constant 4 : i32
      %dma_wait3A_572 = arith.constant 4 : i32
      %dma_wait3A_573 = arith.constant 0 : i32
      %dma_wait3A_574 = arith.constant 0 : i32
      %dma_wait3A_575 = tpu.memref_slice %arg10[%dma_wait3A_572, %dma_wait3A_573, %dma_wait3A_574] : memref<5x40x128xf32, #tpu.memory_space<vmem>> -> memref<1x40x128xf32, #tpu.memory_space<vmem>>
      %dma_wait3A_576 = tpu.memref_squeeze %dma_wait3A_575 : memref<1x40x128xf32, #tpu.memory_space<vmem>> -> memref<40x128xf32, #tpu.memory_space<vmem>>
      %dma_wait3A_577 = arith.constant 0 : i32
      %dma_wait3A_578 = tpu.memref_slice %arg8[%dma_wait3A_570, %dma_wait3A_571, %dma_wait3A_577] : memref<2x5x40xi32, #tpu.memory_space<vmem>> -> memref<1x1x40xi32, #tpu.memory_space<vmem>>
      %dma_wait3A_579 = tpu.memref_squeeze %dma_wait3A_578 : memref<1x1x40xi32, #tpu.memory_space<vmem>> -> memref<40xi32, #tpu.memory_space<vmem>>
      %dma_wait3A_580 = arith.constant 0 : i32
      %dma_wait3A_581 = arith.constant 0 : i32
      %dma_wait3A_582 = tpu.memref_slice %arg2[%dma_wait3A_580, %dma_wait3A_581] : memref<20000x128xf32, #tpu.memory_space<hbm>> -> memref<20000x128xf32, #tpu.memory_space<hbm>>
      tpu.wait_indirect_dma semaphore(%arg16 : memref<!tpu.dma_semaphore, #tpu.memory_space<semaphore_mem>>) src(%dma_wait3A_582 : memref<20000x128xf32, #tpu.memory_space<hbm>>) dst(%dma_wait3A_576 : memref<40x128xf32, #tpu.memory_space<vmem>>)
      %dma_start3A_583 = arith.constant 4 : i32
      %dma_start3A_584 = arith.constant 1 : i32
      %dma_start3A_585 = arith.constant 4 : i32
      %dma_start3A_586 = arith.constant 0 : i32
      %dma_start3A_587 = arith.constant 0 : i32
      %dma_start3A_588 = tpu.memref_slice %arg10[%dma_start3A_583, %dma_start3A_586, %dma_start3A_587] : memref<5x40x128xf32, #tpu.memory_space<vmem>> -> memref<1x40x128xf32, #tpu.memory_space<vmem>>
      %dma_start3A_589 = tpu.memref_squeeze %dma_start3A_588 : memref<1x40x128xf32, #tpu.memory_space<vmem>> -> memref<40x128xf32, #tpu.memory_space<vmem>>
      %dma_start3A_590 = arith.constant 0 : i32
      %dma_start3A_591 = tpu.memref_slice %arg9[%dma_start3A_584, %dma_start3A_585, %dma_start3A_590] : memref<2x5x40xi32, #tpu.memory_space<vmem>> -> memref<1x1x40xi32, #tpu.memory_space<vmem>>
      %dma_start3A_592 = tpu.memref_squeeze %dma_start3A_591 : memref<1x1x40xi32, #tpu.memory_space<vmem>> -> memref<40xi32, #tpu.memory_space<vmem>>
      %dma_start3A_593 = arith.constant 0 : i32
      %dma_start3A_594 = arith.constant 0 : i32
      %dma_start3A_595 = tpu.memref_slice %arg11[%dma_start3A_593, %dma_start3A_594] : memref<10240x128xf32, #tpu.memory_space<vmem_shared>> -> memref<10240x128xf32, #tpu.memory_space<vmem_shared>>
      tpu.enqueue_indirect_dma source(%dma_start3A_589 : memref<40x128xf32, #tpu.memory_space<vmem>>) target(%dma_start3A_595 : memref<10240x128xf32, #tpu.memory_space<vmem_shared>>) offsets(%dma_start3A_592 : memref<40xi32, #tpu.memory_space<vmem>>) semaphore(%arg21 : memref<!tpu.dma_semaphore, #tpu.memory_space<semaphore_mem>>) {add = true}
      %dma_wait3A_596 = arith.constant 0 : i32
      %dma_wait3A_597 = arith.constant 0 : i32
      %dma_wait3A_598 = arith.constant 0 : i32
      %dma_wait3A_599 = tpu.memref_slice %arg8[%dma_wait3A_596, %dma_wait3A_597, %dma_wait3A_598] : memref<2x5x40xi32, #tpu.memory_space<vmem>> -> memref<1x5x40xi32, #tpu.memory_space<vmem>>
      %dma_wait3A_600 = tpu.memref_squeeze %dma_wait3A_599 : memref<1x5x40xi32, #tpu.memory_space<vmem>> -> memref<5x40xi32, #tpu.memory_space<vmem>>
      %dma_wait3A_601 = arith.constant 0 : i32
      %dma_wait3A_602 = arith.constant 0 : i32
      %dma_wait3A_603 = tpu.memref_slice %arg3[%arg0, %arg1, %min3A_431, %dma_wait3A_601, %dma_wait3A_602] : memref<2x16x50x5x40xi32, #tpu.memory_space<hbm>> -> memref<1x1x1x5x40xi32, #tpu.memory_space<hbm>>
      %dma_wait3A_604 = tpu.memref_squeeze %dma_wait3A_603 : memref<1x1x1x5x40xi32, #tpu.memory_space<hbm>> -> memref<5x40xi32, #tpu.memory_space<hbm>>
      %dma_wait3A_605 = arith.constant 0 : i32
      %dma_wait3A_606 = arith.constant 0 : i32
      %dma_wait3A_607 = tpu.memref_slice %arg8[%dma_wait3A_596, %dma_wait3A_605, %dma_wait3A_606] : memref<2x5x40xi32, #tpu.memory_space<vmem>> -> memref<1x5x40xi32, #tpu.memory_space<vmem>>
      %dma_wait3A_608 = tpu.memref_squeeze %dma_wait3A_607 : memref<1x5x40xi32, #tpu.memory_space<vmem>> -> memref<5x40xi32, #tpu.memory_space<vmem>>
      %dma_wait3A_609 = arith.constant 0 : i32
      %dma_wait3A_610 = arith.constant 0 : i32
      %dma_wait3A_611 = tpu.memref_slice %arg3[%arg0, %arg1, %min3A_431, %dma_wait3A_609, %dma_wait3A_610] : memref<2x16x50x5x40xi32, #tpu.memory_space<hbm>> -> memref<1x1x1x5x40xi32, #tpu.memory_space<hbm>>
      %dma_wait3A_612 = tpu.memref_squeeze %dma_wait3A_611 : memref<1x1x1x5x40xi32, #tpu.memory_space<hbm>> -> memref<5x40xi32, #tpu.memory_space<hbm>>
      tpu.wait_dma2 semaphore(%arg22 : memref<!tpu.dma_semaphore, #tpu.memory_space<semaphore_mem>>) src(%dma_wait3A_612 : memref<5x40xi32, #tpu.memory_space<hbm>>) dst(%dma_wait3A_608 : memref<5x40xi32, #tpu.memory_space<vmem>>)
      %dma_wait3A_613 = arith.constant 0 : i32
      %dma_wait3A_614 = arith.constant 0 : i32
      %dma_wait3A_615 = arith.constant 0 : i32
      %dma_wait3A_616 = tpu.memref_slice %arg9[%dma_wait3A_613, %dma_wait3A_614, %dma_wait3A_615] : memref<2x5x40xi32, #tpu.memory_space<vmem>> -> memref<1x5x40xi32, #tpu.memory_space<vmem>>
      %dma_wait3A_617 = tpu.memref_squeeze %dma_wait3A_616 : memref<1x5x40xi32, #tpu.memory_space<vmem>> -> memref<5x40xi32, #tpu.memory_space<vmem>>
      %dma_wait3A_618 = arith.constant 0 : i32
      %dma_wait3A_619 = arith.constant 0 : i32
      %dma_wait3A_620 = tpu.memref_slice %arg4[%arg1, %min3A_431, %dma_wait3A_618, %dma_wait3A_619] : memref<16x50x5x40xi32, #tpu.memory_space<hbm>> -> memref<1x1x5x40xi32, #tpu.memory_space<hbm>>
      %dma_wait3A_621 = tpu.memref_squeeze %dma_wait3A_620 : memref<1x1x5x40xi32, #tpu.memory_space<hbm>> -> memref<5x40xi32, #tpu.memory_space<hbm>>
      %dma_wait3A_622 = arith.constant 0 : i32
      %dma_wait3A_623 = arith.constant 0 : i32
      %dma_wait3A_624 = tpu.memref_slice %arg9[%dma_wait3A_613, %dma_wait3A_622, %dma_wait3A_623] : memref<2x5x40xi32, #tpu.memory_space<vmem>> -> memref<1x5x40xi32, #tpu.memory_space<vmem>>
      %dma_wait3A_625 = tpu.memref_squeeze %dma_wait3A_624 : memref<1x5x40xi32, #tpu.memory_space<vmem>> -> memref<5x40xi32, #tpu.memory_space<vmem>>
      %dma_wait3A_626 = arith.constant 0 : i32
      %dma_wait3A_627 = arith.constant 0 : i32
      %dma_wait3A_628 = tpu.memref_slice %arg4[%arg1, %min3A_431, %dma_wait3A_626, %dma_wait3A_627] : memref<16x50x5x40xi32, #tpu.memory_space<hbm>> -> memref<1x1x5x40xi32, #tpu.memory_space<hbm>>
      %dma_wait3A_629 = tpu.memref_squeeze %dma_wait3A_628 : memref<1x1x5x40xi32, #tpu.memory_space<hbm>> -> memref<5x40xi32, #tpu.memory_space<hbm>>
      tpu.wait_dma2 semaphore(%arg23 : memref<!tpu.dma_semaphore, #tpu.memory_space<semaphore_mem>>) src(%dma_wait3A_629 : memref<5x40xi32, #tpu.memory_space<hbm>>) dst(%dma_wait3A_625 : memref<5x40xi32, #tpu.memory_space<vmem>>)
    }
    %scan3A_10 = arith.constant 25 : i32
    %dma_wait3A = arith.constant 0 : i32
    %dma_wait3A_11 = arith.constant 0 : i32
    %dma_wait3A_12 = arith.constant 0 : i32
    %dma_wait3A_13 = arith.constant 0 : i32
    %dma_wait3A_14 = arith.constant 0 : i32
    %dma_wait3A_15 = tpu.memref_slice %arg10[%dma_wait3A, %dma_wait3A_13, %dma_wait3A_14] : memref<5x40x128xf32, #tpu.memory_space<vmem>> -> memref<1x40x128xf32, #tpu.memory_space<vmem>>
    %dma_wait3A_16 = tpu.memref_squeeze %dma_wait3A_15 : memref<1x40x128xf32, #tpu.memory_space<vmem>> -> memref<40x128xf32, #tpu.memory_space<vmem>>
    %dma_wait3A_17 = arith.constant 0 : i32
    %dma_wait3A_18 = tpu.memref_slice %arg9[%dma_wait3A_11, %dma_wait3A_12, %dma_wait3A_17] : memref<2x5x40xi32, #tpu.memory_space<vmem>> -> memref<1x1x40xi32, #tpu.memory_space<vmem>>
    %dma_wait3A_19 = tpu.memref_squeeze %dma_wait3A_18 : memref<1x1x40xi32, #tpu.memory_space<vmem>> -> memref<40xi32, #tpu.memory_space<vmem>>
    %dma_wait3A_20 = arith.constant 0 : i32
    %dma_wait3A_21 = arith.constant 0 : i32
    %dma_wait3A_22 = tpu.memref_slice %arg11[%dma_wait3A_20, %dma_wait3A_21] : memref<10240x128xf32, #tpu.memory_space<vmem_shared>> -> memref<10240x128xf32, #tpu.memory_space<vmem_shared>>
    tpu.wait_indirect_dma semaphore(%arg17 : memref<!tpu.dma_semaphore, #tpu.memory_space<semaphore_mem>>) src(%dma_wait3A_16 : memref<40x128xf32, #tpu.memory_space<vmem>>) dst(%dma_wait3A_22 : memref<10240x128xf32, #tpu.memory_space<vmem_shared>>)
    %dma_wait3A_23 = arith.constant 1 : i32
    %dma_wait3A_24 = arith.constant 0 : i32
    %dma_wait3A_25 = arith.constant 1 : i32
    %dma_wait3A_26 = arith.constant 0 : i32
    %dma_wait3A_27 = arith.constant 0 : i32
    %dma_wait3A_28 = tpu.memref_slice %arg10[%dma_wait3A_23, %dma_wait3A_26, %dma_wait3A_27] : memref<5x40x128xf32, #tpu.memory_space<vmem>> -> memref<1x40x128xf32, #tpu.memory_space<vmem>>
    %dma_wait3A_29 = tpu.memref_squeeze %dma_wait3A_28 : memref<1x40x128xf32, #tpu.memory_space<vmem>> -> memref<40x128xf32, #tpu.memory_space<vmem>>
    %dma_wait3A_30 = arith.constant 0 : i32
    %dma_wait3A_31 = tpu.memref_slice %arg9[%dma_wait3A_24, %dma_wait3A_25, %dma_wait3A_30] : memref<2x5x40xi32, #tpu.memory_space<vmem>> -> memref<1x1x40xi32, #tpu.memory_space<vmem>>
    %dma_wait3A_32 = tpu.memref_squeeze %dma_wait3A_31 : memref<1x1x40xi32, #tpu.memory_space<vmem>> -> memref<40xi32, #tpu.memory_space<vmem>>
    %dma_wait3A_33 = arith.constant 0 : i32
    %dma_wait3A_34 = arith.constant 0 : i32
    %dma_wait3A_35 = tpu.memref_slice %arg11[%dma_wait3A_33, %dma_wait3A_34] : memref<10240x128xf32, #tpu.memory_space<vmem_shared>> -> memref<10240x128xf32, #tpu.memory_space<vmem_shared>>
    tpu.wait_indirect_dma semaphore(%arg18 : memref<!tpu.dma_semaphore, #tpu.memory_space<semaphore_mem>>) src(%dma_wait3A_29 : memref<40x128xf32, #tpu.memory_space<vmem>>) dst(%dma_wait3A_35 : memref<10240x128xf32, #tpu.memory_space<vmem_shared>>)
    %dma_wait3A_36 = arith.constant 2 : i32
    %dma_wait3A_37 = arith.constant 0 : i32
    %dma_wait3A_38 = arith.constant 2 : i32
    %dma_wait3A_39 = arith.constant 0 : i32
    %dma_wait3A_40 = arith.constant 0 : i32
    %dma_wait3A_41 = tpu.memref_slice %arg10[%dma_wait3A_36, %dma_wait3A_39, %dma_wait3A_40] : memref<5x40x128xf32, #tpu.memory_space<vmem>> -> memref<1x40x128xf32, #tpu.memory_space<vmem>>
    %dma_wait3A_42 = tpu.memref_squeeze %dma_wait3A_41 : memref<1x40x128xf32, #tpu.memory_space<vmem>> -> memref<40x128xf32, #tpu.memory_space<vmem>>
    %dma_wait3A_43 = arith.constant 0 : i32
    %dma_wait3A_44 = tpu.memref_slice %arg9[%dma_wait3A_37, %dma_wait3A_38, %dma_wait3A_43] : memref<2x5x40xi32, #tpu.memory_space<vmem>> -> memref<1x1x40xi32, #tpu.memory_space<vmem>>
    %dma_wait3A_45 = tpu.memref_squeeze %dma_wait3A_44 : memref<1x1x40xi32, #tpu.memory_space<vmem>> -> memref<40xi32, #tpu.memory_space<vmem>>
    %dma_wait3A_46 = arith.constant 0 : i32
    %dma_wait3A_47 = arith.constant 0 : i32
    %dma_wait3A_48 = tpu.memref_slice %arg11[%dma_wait3A_46, %dma_wait3A_47] : memref<10240x128xf32, #tpu.memory_space<vmem_shared>> -> memref<10240x128xf32, #tpu.memory_space<vmem_shared>>
    tpu.wait_indirect_dma semaphore(%arg19 : memref<!tpu.dma_semaphore, #tpu.memory_space<semaphore_mem>>) src(%dma_wait3A_42 : memref<40x128xf32, #tpu.memory_space<vmem>>) dst(%dma_wait3A_48 : memref<10240x128xf32, #tpu.memory_space<vmem_shared>>)
    %dma_wait3A_49 = arith.constant 3 : i32
    %dma_wait3A_50 = arith.constant 0 : i32
    %dma_wait3A_51 = arith.constant 3 : i32
    %dma_wait3A_52 = arith.constant 0 : i32
    %dma_wait3A_53 = arith.constant 0 : i32
    %dma_wait3A_54 = tpu.memref_slice %arg10[%dma_wait3A_49, %dma_wait3A_52, %dma_wait3A_53] : memref<5x40x128xf32, #tpu.memory_space<vmem>> -> memref<1x40x128xf32, #tpu.memory_space<vmem>>
    %dma_wait3A_55 = tpu.memref_squeeze %dma_wait3A_54 : memref<1x40x128xf32, #tpu.memory_space<vmem>> -> memref<40x128xf32, #tpu.memory_space<vmem>>
    %dma_wait3A_56 = arith.constant 0 : i32
    %dma_wait3A_57 = tpu.memref_slice %arg9[%dma_wait3A_50, %dma_wait3A_51, %dma_wait3A_56] : memref<2x5x40xi32, #tpu.memory_space<vmem>> -> memref<1x1x40xi32, #tpu.memory_space<vmem>>
    %dma_wait3A_58 = tpu.memref_squeeze %dma_wait3A_57 : memref<1x1x40xi32, #tpu.memory_space<vmem>> -> memref<40xi32, #tpu.memory_space<vmem>>
    %dma_wait3A_59 = arith.constant 0 : i32
    %dma_wait3A_60 = arith.constant 0 : i32
    %dma_wait3A_61 = tpu.memref_slice %arg11[%dma_wait3A_59, %dma_wait3A_60] : memref<10240x128xf32, #tpu.memory_space<vmem_shared>> -> memref<10240x128xf32, #tpu.memory_space<vmem_shared>>
    tpu.wait_indirect_dma semaphore(%arg20 : memref<!tpu.dma_semaphore, #tpu.memory_space<semaphore_mem>>) src(%dma_wait3A_55 : memref<40x128xf32, #tpu.memory_space<vmem>>) dst(%dma_wait3A_61 : memref<10240x128xf32, #tpu.memory_space<vmem_shared>>)
    %dma_wait3A_62 = arith.constant 4 : i32
    %dma_wait3A_63 = arith.constant 0 : i32
    %dma_wait3A_64 = arith.constant 4 : i32
    %dma_wait3A_65 = arith.constant 0 : i32
    %dma_wait3A_66 = arith.constant 0 : i32
    %dma_wait3A_67 = tpu.memref_slice %arg10[%dma_wait3A_62, %dma_wait3A_65, %dma_wait3A_66] : memref<5x40x128xf32, #tpu.memory_space<vmem>> -> memref<1x40x128xf32, #tpu.memory_space<vmem>>
    %dma_wait3A_68 = tpu.memref_squeeze %dma_wait3A_67 : memref<1x40x128xf32, #tpu.memory_space<vmem>> -> memref<40x128xf32, #tpu.memory_space<vmem>>
    %dma_wait3A_69 = arith.constant 0 : i32
    %dma_wait3A_70 = tpu.memref_slice %arg9[%dma_wait3A_63, %dma_wait3A_64, %dma_wait3A_69] : memref<2x5x40xi32, #tpu.memory_space<vmem>> -> memref<1x1x40xi32, #tpu.memory_space<vmem>>
    %dma_wait3A_71 = tpu.memref_squeeze %dma_wait3A_70 : memref<1x1x40xi32, #tpu.memory_space<vmem>> -> memref<40xi32, #tpu.memory_space<vmem>>
    %dma_wait3A_72 = arith.constant 0 : i32
    %dma_wait3A_73 = arith.constant 0 : i32
    %dma_wait3A_74 = tpu.memref_slice %arg11[%dma_wait3A_72, %dma_wait3A_73] : memref<10240x128xf32, #tpu.memory_space<vmem_shared>> -> memref<10240x128xf32, #tpu.memory_space<vmem_shared>>
    tpu.wait_indirect_dma semaphore(%arg21 : memref<!tpu.dma_semaphore, #tpu.memory_space<semaphore_mem>>) src(%dma_wait3A_68 : memref<40x128xf32, #tpu.memory_space<vmem>>) dst(%dma_wait3A_74 : memref<10240x128xf32, #tpu.memory_space<vmem_shared>>)
    %barrier3A_75 = arith.constant 0 : index
    tpu.barrier barrier_id(%barrier3A_75)
    %eq3A = arith.constant 0 : i32
    %eq3A_76 = arith.cmpi eq, %arg0, %eq3A : i32
    %convert_element_type3A = arith.extui %eq3A_76 : i1 to i32
    %cond3A = arith.constant 0 : i32
    %cond3A_77 = arith.cmpi ne, %convert_element_type3A, %cond3A : i32
    scf.if %cond3A_77 {
      %mul3A_83 = arith.constant 640 : i32
      %mul3A_84 = arith.muli %arg1, %mul3A_83 : i32
      %mul3A_85 = arith.constant 640 : i32
      %mul3A_86 = arith.muli %arg1, %mul3A_85 : i32
      "tpu.region"() ({
        %run_scoped3A_87 = tpu.sem_alloc : memref<!tpu.dma_semaphore, #tpu.memory_space<semaphore_mem>>
        %dma_start3A = arith.constant 0 : i32
        %dma_start3A_88 = tpu.memref_slice %arg6[%mul3A_86, %dma_start3A] : memref<10240x128xf32, #tpu.memory_space<hbm>> -> memref<640x128xf32, #tpu.memory_space<hbm>>
        %dma_start3A_89 = arith.constant 0 : i32
        %dma_start3A_90 = tpu.memref_slice %arg11[%mul3A_84, %dma_start3A_89] : memref<10240x128xf32, #tpu.memory_space<vmem_shared>> -> memref<640x128xf32, #tpu.memory_space<vmem_shared>>
        tpu.enqueue_dma source(%dma_start3A_90 : memref<640x128xf32, #tpu.memory_space<vmem_shared>>) target(%dma_start3A_88 : memref<640x128xf32, #tpu.memory_space<hbm>>) target_semaphore(%run_scoped3A_87 : memref<!tpu.dma_semaphore, #tpu.memory_space<semaphore_mem>>)
        %dma_wait3A_91 = arith.constant 0 : i32
        %dma_wait3A_92 = tpu.memref_slice %arg6[%mul3A_86, %dma_wait3A_91] : memref<10240x128xf32, #tpu.memory_space<hbm>> -> memref<640x128xf32, #tpu.memory_space<hbm>>
        %dma_wait3A_93 = arith.constant 0 : i32
        %dma_wait3A_94 = tpu.memref_slice %arg11[%mul3A_84, %dma_wait3A_93] : memref<10240x128xf32, #tpu.memory_space<vmem_shared>> -> memref<640x128xf32, #tpu.memory_space<vmem_shared>>
        tpu.wait_dma2 semaphore(%run_scoped3A_87 : memref<!tpu.dma_semaphore, #tpu.memory_space<semaphore_mem>>) src(%dma_wait3A_94 : memref<640x128xf32, #tpu.memory_space<vmem_shared>>) dst(%dma_wait3A_92 : memref<640x128xf32, #tpu.memory_space<hbm>>)
        tpu.yield
      }) : () -> ()
    } else {
    }
    %eq3A_78 = arith.constant 1 : i32
    %eq3A_79 = arith.cmpi eq, %arg0, %eq3A_78 : i32
    %convert_element_type3A_80 = arith.extui %eq3A_79 : i1 to i32
    %cond3A_81 = arith.constant 0 : i32
    %cond3A_82 = arith.cmpi ne, %convert_element_type3A_80, %cond3A_81 : i32
    scf.if %cond3A_82 {
      %mul3A_83 = arith.constant 640 : i32
      %mul3A_84 = arith.muli %arg1, %mul3A_83 : i32
      %mul3A_85 = arith.constant 640 : i32
      %mul3A_86 = arith.muli %arg1, %mul3A_85 : i32
      "tpu.region"() ({
        %run_scoped3A_87 = tpu.sem_alloc : memref<!tpu.dma_semaphore, #tpu.memory_space<semaphore_mem>>
        %dma_start3A = arith.constant 0 : i32
        %dma_start3A_88 = tpu.memref_slice %arg7[%mul3A_86, %dma_start3A] : memref<10240x128xf32, #tpu.memory_space<hbm>> -> memref<640x128xf32, #tpu.memory_space<hbm>>
        %dma_start3A_89 = arith.constant 0 : i32
        %dma_start3A_90 = tpu.memref_slice %arg11[%mul3A_84, %dma_start3A_89] : memref<10240x128xf32, #tpu.memory_space<vmem_shared>> -> memref<640x128xf32, #tpu.memory_space<vmem_shared>>
        tpu.enqueue_dma source(%dma_start3A_90 : memref<640x128xf32, #tpu.memory_space<vmem_shared>>) target(%dma_start3A_88 : memref<640x128xf32, #tpu.memory_space<hbm>>) target_semaphore(%run_scoped3A_87 : memref<!tpu.dma_semaphore, #tpu.memory_space<semaphore_mem>>)
        %dma_wait3A_91 = arith.constant 0 : i32
        %dma_wait3A_92 = tpu.memref_slice %arg7[%mul3A_86, %dma_wait3A_91] : memref<10240x128xf32, #tpu.memory_space<hbm>> -> memref<640x128xf32, #tpu.memory_space<hbm>>
        %dma_wait3A_93 = arith.constant 0 : i32
        %dma_wait3A_94 = tpu.memref_slice %arg11[%mul3A_84, %dma_wait3A_93] : memref<10240x128xf32, #tpu.memory_space<vmem_shared>> -> memref<640x128xf32, #tpu.memory_space<vmem_shared>>
        tpu.wait_dma2 semaphore(%run_scoped3A_87 : memref<!tpu.dma_semaphore, #tpu.memory_space<semaphore_mem>>) src(%dma_wait3A_94 : memref<640x128xf32, #tpu.memory_space<vmem_shared>>) dst(%dma_wait3A_92 : memref<640x128xf32, #tpu.memory_space<hbm>>)
        tpu.yield
      }) : () -> ()
    } else {
    }
    return
  }
}

</mosaic_0001>

<sc_bundles>
// kernel: kernel.3.cloned.1.call-start
scs
__scs_entry_jumppad:
0x0: {  	(pc) =	sbr.rel $0x88, $3  }
0x1: {  	(tag) =	ssettag $0x0;
	lr =	simm.s32 $0x1  }
0x2: {  	[smem:$0x3F9F] =	sst lr;
	_ =	strace $0xD0000000  }
0x3: {  	_ = 	snop  }
0x4: {  	_ = 	snop  }
0x5: {  	_ = 	snop  }
0x6: {  	_ = 	snop  }
0x7: {  	_ = 	snop  }
__scs_overlays_trampoline_lowered:
0x8: {  	[smem:$0x3FAE] =	sst s0  }
0x9: {  	[smem:$0x3FAF] =	sst s1  }
0xa: {  	[smem:$0x3FB0] =	sst s2  }
0xb: {  	[smem:$0x3FB1] =	sst s3  }
0xc: {  	[smem:$0x3FB2] =	sst s4  }
0xd: {  	[smem:$0x3FB3] =	sst s5  }
0xe: {  	[smem:$0x3FB4] =	sst s6  }
0xf: {  	[smem:$0x3FB5] =	sst s7  }
0x10: {  	[smem:$0x3FB6] =	sst s8  }
0x11: {  	[smem:$0x3FB7] =	sst s9;
	s0 =	simm.s32 @!p0 $0x0  }
0x12: {  	s1 =	sld [smem:$0x3F9D];
	s0 =	simm.s32 @p0 $0x1  }
0x13: {  	[smem:$0x3FB8] =	sst s0;
	s0 =	simm.s32 @!p1 $0x0  }
0x14: {  	s2 =	sld [smem:$0x3F9C];
	s0 =	simm.s32 @p1 $0x1  }
0x15: {  	[smem:$0x3FB9] =	sst s0;
	s0 =	simm.s32 @!p2 $0x0  }
0x16: {  	s3 =	sld [smem:$0x3FDB];
	s0 =	simm.s32 @p2 $0x1  }
0x17: {  	s4 =	simm.s32 $0x1BF5;
	[smem:$0x3FBB] =	sst s0  }
0x18: {  	s0 =	sld [smem:$0x3F9E];
	_ =	swait.ge [sflag:s4], $0x0  }
0x19: {  	s7 =	sld [smem:$0x3F9F]  }
0x1a: {  	s8 =	sadd.s32 $0xFFFFE003, lr  }
0x1b: {  	s9 =	sadd.s32 $0xFFFFFEF7, lr;
	s5 =	simm.s32 $0xFFFFFFFF;
	p2 =	slt.u32 s8, $0xFFFFF086  }
0x1c: {  	p1 =	slt.u32 s9, $0xF7A;
	s5 =	simm.s32 @!p2 $0x0  }
0x1d: {  	s5 =	simm.s32 @p1 $0x1;
	p0 =	seq.s32 s7, s2  }
0x1e: {  	s7 =	smul.u32 @!p0 $0xF7A, s2;
	p2 =	seq.s32 @!p0 s5, $0x0  }
0x1f: {  	s9 =	smul.u32 $0xF7A, s1;
	s8 =	simm.s32 @!p0 $0x1BF5;
	p2 =	por !p2, p0  }
0x20: {  	[sflag:s8] =	ssyncset.s32 @!p0 $0xFFFFF086;
	s6 =	sadd.s32 @!p0 s3, s7;
	s7 =	simm.s32 @!p0 $0x108  }
0x21: {  	s3 =	sadd.s32 s3, s9;
	s6 =	sadd.s32 @!p0 $0x88, s6;
	s7 =	simm.s32 @p2 $0x1082  }
0x22: {  	[simem:s7], [sflag:s8] =	dma.local @!p0 [hbm:s6], $0xF7A  }
0x23: {  	s9 =	sor.u32 $0xD0000000, s2;
	s6 =	simm.s32 $0x108;
	_ =	swait.ge @!p0 [sflag:s8], $0x0  }
0x24: {  	s3 =	sadd.s32 $0x88, s3;
	s6 =	simm.s32 @!p1 $0x1082;
	[sflag:s4] =	ssyncset.s32 $0xFFFFF086  }
0x25: {  	[simem:s6], [sflag:s4] =	dma.local [hbm:s3], $0xF7A  }
0x26: {  	[smem:$0x3F9F] =	sst s1;
	(tag) =	ssettag s2;
	_ =	strace s9  }
0x27: {  	s1 =	sld [smem:$0x3FAF]  }
0x28: {  	s2 =	sld [smem:$0x3FB0]  }
0x29: {  	s4 =	sld [smem:$0x3FB2]  }
0x2a: {  	p0 =	seq.s32 s5, $0x0;
	s5 =	sld [smem:$0x3FB3]  }
0x2b: {  	s6 =	sld [smem:$0x3FB4]  }
0x2c: {  	s7 =	sld [smem:$0x3FB5]  }
0x2d: {  	s3 =	simm.s32 $0x108;
	s8 =	sld [smem:$0x3FB6]  }
0x2e: {  	s3 =	simm.s32 @!p0 $0x1082;
	s9 =	sld [smem:$0x3FB7]  }
0x2f: {  	lr =	sadd.s32 s0, s3;
	s0 =	sld [smem:$0x3FAE]  }
0x30: {  	s3 =	sld [smem:$0x3FB1]  }
0x31: {  	[smem:$0x3FBA] =	sst s10  }
0x32: {  	s10 =	sld [smem:$0x3FB8];
	_ =	sdelay $0x3  }
0x33: {  	p0 =	seq.s32 s10, $0x1;
	s10 =	sld [smem:$0x3FBA];
	_ =	sdelay $0x3  }
0x34: {  	[smem:$0x3FBA] =	sst s10  }
0x35: {  	s10 =	sld [smem:$0x3FB9];
	_ =	sdelay $0x3  }
0x36: {  	p1 =	seq.s32 s10, $0x1;
	s10 =	sld [smem:$0x3FBA];
	_ =	sdelay $0x3  }
0x37: {  	[smem:$0x3FBA] =	sst s10  }
0x38: {  	s10 =	sld [smem:$0x3FBB]  }
0x39: {  	_ = 	snop;
	(pc) =	sbr.ind lr, $3  }
0x3a: {  	_ = 	snop  }
0x3b: {  	_ = 	snop  }
0x3c: {  	p2 =	seq.s32 s10, $0x1;
	s10 =	sld [smem:$0x3FBA]  }
0x3d: {  	_ =	shalt  }
0x3e: {  	_ =	shalt  }
0x3f: {  	_ =	shalt  }
0x40: {  	_ =	shalt  }
0x41: {  	_ =	shalt  }
0x42: {  	_ =	shalt  }
0x43: {  	_ =	shalt  }
0x44: {  	_ =	shalt  }
0x45: {  	_ =	shalt  }
0x46: {  	_ =	shalt  }
0x47: {  	_ =	shalt  }
0x48: {  	_ =	shalt  }
0x49: {  	_ =	shalt  }
0x4a: {  	_ =	shalt  }
0x4b: {  	_ =	shalt  }
0x4c: {  	_ =	shalt  }
0x4d: {  	_ =	shalt  }
0x4e: {  	_ =	shalt  }
0x4f: {  	_ =	shalt  }
0x50: {  	_ =	shalt  }
0x51: {  	_ =	shalt  }
0x52: {  	_ =	shalt  }
0x53: {  	_ =	shalt  }
0x54: {  	_ =	shalt  }
0x55: {  	_ =	shalt  }
0x56: {  	_ =	shalt  }
0x57: {  	_ =	shalt  }
0x58: {  	_ =	shalt  }
0x59: {  	_ =	shalt  }
0x5a: {  	_ =	shalt  }
0x5b: {  	_ =	shalt  }
0x5c: {  	_ =	shalt  }
0x5d: {  	_ =	shalt  }
0x5e: {  	_ =	shalt  }
0x5f: {  	_ =	shalt  }
0x60: {  	_ =	shalt  }
0x61: {  	_ =	shalt  }
0x62: {  	_ =	shalt  }
0x63: {  	_ =	shalt  }
0x64: {  	_ =	shalt  }
0x65: {  	_ =	shalt  }
0x66: {  	_ =	shalt  }
0x67: {  	_ =	shalt  }
0x68: {  	_ =	shalt  }
0x69: {  	_ =	shalt  }
0x6a: {  	_ =	shalt  }
0x6b: {  	_ =	shalt  }
0x6c: {  	_ =	shalt  }
0x6d: {  	_ =	shalt  }
0x6e: {  	_ =	shalt  }
0x6f: {  	_ =	shalt  }
0x70: {  	_ =	shalt  }
0x71: {  	_ =	shalt  }
0x72: {  	_ =	shalt  }
0x73: {  	_ =	shalt  }
0x74: {  	_ =	shalt  }
0x75: {  	_ =	shalt  }
0x76: {  	_ =	shalt  }
0x77: {  	_ =	shalt  }
0x78: {  	_ =	shalt  }
0x79: {  	_ =	shalt  }
0x7a: {  	_ =	shalt  }
0x7b: {  	_ =	shalt  }
0x7c: {  	_ =	shalt  }
0x7d: {  	_ =	shalt  }
0x7e: {  	_ =	shalt  }
0x7f: {  	_ =	shalt  }
0x80: {  	_ =	shalt  }
0x81: {  	_ =	shalt  }
0x82: {  	_ =	shalt  }
0x83: {  	_ =	shalt  }
0x84: {  	_ =	shalt  }
0x85: {  	_ =	shalt  }
0x86: {  	_ =	shalt  }
0x87: {  	_ =	shalt  }
.Lfunc_end0:
.L_simem_size_0:
called_computation_lowered:
.L_overlay_start_0:
0x88: {  	s2 =	sld [smem:$0x3FD9]  }
0x89: {  	s3 =	sld [smem:$0x3FFE];
	_ =	sdelay $0x1  }
0x8a: {  	s1 =	srdreg.scid  }
0x8b: {  	s0 =	sand.u32 $0x1, s1  }
0x8c: {  	s17 =	sshll.u32 s0, $0xA;
	s2 =	sadd.s32 s3, s2  }
0x8d: {  	s2 =	sadd.s32 s2, s17  }
0x8e: {  	[smem:$0x3FC6] =	sst s2  }
0x8f: {  	_ = 	snop  }
0x90: {  	s2 =	sld [smem:$0x3FD0];
	(tm) =	ssettm $0x1  }
0x91: {  	s18 =	sld [smem:$0x3FFB];
	_ =	sdelay $0x3  }
0x92: {  	_ =	strace s18  }
0x93: {  	s3 =	sld [smem:$0x3FFC];
	_ =	sdelay $0x3  }
0x94: {  	_ =	strace s3  }
0x95: {  	s3 =	sld [smem:$0x3FFD];
	_ =	sdelay $0x3  }
0x96: {  	_ =	strace s3  }
0x97: {  	_ =	strace $0x8FFFFFFF  }
0x98: {  	s19 =	sld [smem:$0x3FDB];
	_ =	sdelay $0x1  }
0x99: {  	s4 =	simm.s32 $_scs_section_size  }
0x9a: {  	s5 =	simm.s32 $_size__tile_overlayer_lowered;
	s6 =	simm.s32 $_tile_overlayer_lowered  }
0x9b: {  	s22 =	simm.s32 $0x1BFF;
	s21 =	sshll.u32 s6, $0x1;
	s3 =	sadd.s32 s4, s19  }
0x9c: {  	s7 =	simm.s32 $0x0;
	s20 =	sshll.u32 s5, $0x1;
	s5 =	sadd.s32 s21, s3  }
0x9d: {  	[timem:s7], [sflag:s22] =	dma.local [hbm:s5], s20  }
0x9e: {  	_ =	swait.ge [sflag:s22], s20  }
0x9f: {  	s4 =	ssub.s32 $0x0, s20;
	[sflag:s22] =	ssyncset.done $0x0  }
0xa0: {  	[sflag:s22] =	ssyncadd.s32 s4;
	_ =	sdelay $0x1  }
0xa1: {  	s23 =	simm.s32 $0x1B8B  }
0xa2: {  	_ =	swait.ge [sflag:s23], $0x1  }
0xa3: {  	[sflag:s23] =	ssyncset.done $0x0  }
0xa4: {  	s25 =	simm.s32 $0x1B8E;
	s24 =	sld [smem:$0x3FFE];
	[sflag:s23] =	ssyncadd.s32 $0xFFFFFFFF  }
0xa5: {  	s26 =	simm.s32 $execute0_lowered;
	[smem:$0x3FD2] =	sst s25  }
0xa6: {  	s5 =	sshll.u32 s26, $0x1;
	_ =	strace $0x80000046;
	[dreg:$0x1] =	wrdreg $0xFFFFFFFF  }
0xa7: {  	s28 =	simm.s32 $_size_execute0_lowered;
	s3 =	sadd.s32 s3, s5;
	[dreg:$0x0] =	wrdreg $0x0  }
0xa8: {  	s5 =	sshll.u32 s28, $0x1;
	[dreg:$0x2] =	wrdreg s3  }
0xa9: {  	[dreg:$0x3] =	wrdreg s5  }
0xaa: {  	[dreg:$0x4] =	wrdreg $0xC0  }
0xab: {  	_ =	task [dreg:s7], $0x5FFFF  }
0xac: {  	[dreg:$0x1] =	wrdreg $0xFFFFFFFF  }
0xad: {  	[dreg:$0x0] =	wrdreg $0x60  }
0xae: {  	[dreg:$0x2] =	wrdreg s2  }
0xaf: {  	[dreg:$0x3] =	wrdreg s24  }
0xb0: {  	[dreg:$0x4] =	wrdreg $0x74000  }
0xb1: {  	[dreg:$0x5] =	wrdreg $0x9  }
0xb2: {  	_ =	task.clear_ibuf [dreg:s7], $0x6FFFF;
	_ =	strace $0x90000046  }
0xb3: {  	s29 =	simm.s32 $0x9;
	_ =	strace $0x80000048  }
0xb4: {  	_ =	swait.ge [sflag:s29], $0x1  }
0xb5: {  	[sflag:s29] =	ssyncadd.s32 $0xFFFFFFFF  }
0xb6: {  	_ =	strace $0x90000048  }
0xb7: {  	_ =	sfence  }
0xb8: {  	s30 =	sld [smem:$0x0];
	_ =	sdelay $0x2  }
0xb9: {  	s31 =	sshll.u32 s1, $0xD;
	s1 =	sshrl.u32 s1, $0x2  }
0xba: {  	s3 =	sand.u32 $0x4000, s31;
	s1 =	sadd.s32 s1, s30  }
0xbb: {  	s0 =	sor.u32 s3, s0;
	s1 =	sshll.u32 s1, $0x11  }
0xbc: {  	s0 =	sor.u32 s1, s0  }
0xbd: {  	s0 =	sadd.s32 $0x8F2B, s0  }
0xbe: {  	[sflag:s0] =	ssyncadd.remote.s32 $0x1  }
0xbf: {  	_ =	sfence.sel $0xFFFF  }
0xc0: {  	[dreg:$0x0] =	wrdreg $0xFFFFFFFF;
	(pc) =	sbr.abs _section_cstart, $3  }
0xc1: {  	[dreg:$0x1] =	wrdreg $0xFFFFFFFF  }
0xc2: {  	_ =	task.clear_ibuf [dreg:s7], $0x2FFFF;
	_ =	strace $0x9FFFFFFF  }
0xc3: {  	(tm) =	ssettm $0x7FFFFFFF  }
tec
execute0_lowered:
.L_overlay_start_1:
0x0: {  	(tag) =	ssettag $0x1  }
0x1: {  	s1 =	rddreg [dreg:$0x0]  }
0x2: {  	s0 =	rddreg [dreg:$0x1]  }
0x3: {  	s2 =	rddreg [dreg:$0x2];
	s4 =	simm.s32 $0x0;
	s3 =	srdreg.scid  }
0x4: {  	s7 =	stileid.u32;
	s28 =	simm.s32 $0x80;
	s15 =	simm.s32 $0x880  }
0x5: {  	s16 =	simm.s32 $0x900;
	s17 =	simm.s32 $0x980;
	s18 =	simm.s32 $0xA00  }
0x6: {  	s19 =	simm.s32 $0x480;
	s29 =	simm.s32 $0x1;
	[smem:$0x7FF] =	sst s4  }
0x7: {  	s12 =	sadd.s32 $0x400, s0;
	_ =	strace $0x80000047;
	[dreg:$0x4] =	wrdreg s28  }
0x8: {  	s30 =	simm.s32 $0x2;
	s11 =	smul.u32 $0xC800, s7;
	[dreg:$0x16] =	wrdreg s12  }
0x9: {  	s8 =	sadd.s32 $0x19400, s0;
	s6 =	smul.u32 $0x2800, s7;
	[dreg:$0x8] =	wrdreg s15  }
0xa: {  	s31 =	simm.s32 $0x3;
	s20 =	smul.u32 $0x50000, s7;
	[dreg:$0x14] =	wrdreg s8  }
0xb: {  	s3 =	sand.u32 $0x1, s3;
	s26 =	smul.u32 $0x1900, s7;
	[dreg:$0x9] =	wrdreg s16  }
0xc: {  	s5 =	smul.u32 $0xC8000, s3;
	s9 =	ssub.s32 $0x2, s3;
	[dreg:$0xa] =	wrdreg s17  }
0xd: {  	p0 =	seq.s32 s3, $0x1;
	s3 =	simm.s32 $0x9B400;
	[dreg:$0xb] =	wrdreg s18  }
0xe: {  	[dreg:$0xc] =	wrdreg s19;
	s28 =	simm.s32 $0xE00;
	s15 =	simm.s32 $0xA  }
0xf: {  	s10 =	sshrl.u32 s9, $0x1;
	s0 =	sadd.s32 s6, s0;
	[dreg:$0x15] =	wrdreg s11  }
0x10: {  	s23 =	sshrl.u32 s11, $0x3;
	s3 =	simm.s32 @!p0 $0x73400;
	s6 =	simm.s32 $0xD  }
0x11: {  	[dreg:$0x13] =	wrdreg s28;
	s13 =	sadd.s32 s11, s5;
	s24 =	sadd.s32 $0x4B400, s0  }
0x12: {  	s21 =	ssub.s32 s9, s10;
	s0 =	sadd.s32 s3, s0;
	[dreg:$0x1a] =	wrdreg s24  }
0x13: {  	s5 =	sshrl.u32 s20, $0x2;
	s11 =	simm.s32 $0x180;
	[dreg:$0x1c] =	wrdreg s0  }
0x14: {  	s10 =	sadd.s32 s26, s12;
	s20 =	sshll.u32 s7, $0x6;
	[dreg:$0x6] =	wrdreg s11  }
0x15: {  	s26 =	simm.s32 $0xD80;
	s22 =	sshrl.u32 s13, $0x3;
	[dreg:$0x17] =	wrdreg s13  }
0x16: {  	s5 =	sadd.s32 s5, s2;
	s25 =	smax.u32 s21, $0x1;
	[dreg:$0x12] =	wrdreg s26  }
0x17: {  	s3 =	sadd.s32 $0x80, s10;
	s14 =	sor.u32 $0x400, s13;
	[dreg:$0x1b] =	wrdreg s25  }
0x18: {  	s21 =	simm.s32 $0x500;
	s7 =	sor.u32 $0x1C0D, s20;
	[dreg:$0x1d] =	wrdreg s3  }
0x19: {  	s20 =	simm.s32 $0x28;
	s24 =	simm.s32 $0xC80;
	[dreg:$0xd] =	wrdreg s21  }
0x1a: {  	s0 =	simm.s32 $0x4;
	s10 =	simm.s32 $0xC;
	[dreg:$0x10] =	wrdreg s24  }
0x1b: {  	s13 =	simm.s32 $0x8;
	s9 =	sadd.s32 s8, s22;
	[dreg:$0x1f] =	wrdreg s7  }
0x1c: {  	s11 =	simm.s32 $0x0;
	s22 =	simm.s32 $0x580;
	[dreg:$0x18] =	wrdreg s9  }
0x1d: {  	s3 =	sshrl.u32 s14, $0x3;
	s25 =	simm.s32 $0xD00;
	[dreg:$0xe] =	wrdreg s22  }
0x1e: {  	s21 =	simm.s32 $0x1000;
	s9 =	sadd.s32 s12, s23;
	[dreg:$0x11] =	wrdreg s25  }
0x1f: {  	s24 =	simm.s32 $0x4C00;
	s12 =	simm.s32 $0x200;
	[dreg:$0x19] =	wrdreg s9  }
0x20: {  	s14 =	simm.s32 $0x9;
	s3 =	sadd.s32 s3, s8;
	[dreg:$0x7] =	wrdreg s12  }
0x21: {  	s8 =	sshrl.u32 s5, $0x3;
	s23 =	simm.s32 $0x600;
	[dreg:$0x1e] =	wrdreg s3  }
0x22: {  	s22 =	simm.s32 $0x2400;
	s25 =	simm.s32 $0x6000;
	[dreg:$0xf] =	wrdreg s23  }
0x23: {  	s9 =	simm.s32 $0x100;
	s23 =	simm.s32 $0x3800;
	[smem:$0x7FD] =	sst s8  }
0x24: {  	s3 =	simm.s32 $0x5;
	[dreg:$0x5] =	wrdreg s9;
	s9 =	simm.s32 $0xB  }
.LBB2_1:
0x25: {  	[smem:$0x7FC] =	sst s11  }
0x26: {  	s5 =	rddreg [dreg:$0x18]  }
0x27: {  	[tilespmem:s4], [sflag:$0xD] =	stream.linear.gather [hbm4b:s5+s4], $0x280, $0x38;
	[tilespmem:$0x1B400] =	vst v63  }
0x28: {  	_ =	swait.ge [sflag:s6], $0x280  }
0x29: {  	[sflag:s6] =	ssyncset.done $0x0  }
0x2a: {  	s11 =	simm.s32 $0x800;
	s26 =	rddreg [dreg:$0x19];
	[sflag:s6] =	ssyncadd.s32 $0xFFFFFD80  }
0x2b: {  	[tilespmem:s11], [sflag:$0xD] =	stream.linear.gather [hbm4b:s26+s4], $0x280, $0x38;
	[tilespmem:$0x1B400] =	vst v63  }
0x2c: {  	_ =	swait.ge [sflag:s6], $0x280  }
0x2d: {  	[sflag:s6] =	ssyncset.done $0x0  }
0x2e: {  	s28 =	rddreg [dreg:$0x1a];
	[sflag:s6] =	ssyncadd.s32 $0xFFFFFD80  }
0x2f: {  	[spmem:s8], [sflag:s7] =	dma.local [hbm:s28], $0x2800  }
0x30: {  	_ =	swait.ge [sflag:s6], $0x2800  }
0x31: {  	[sflag:s6] =	ssyncset.done $0x0  }
0x32: {  	p0 =	por $0x1, $0x1;
	[sflag:s6] =	ssyncadd.s32 $0xFFFFD800  }
0x33: {  	s5 =	simm.s32 @!p0 $0x6;
	[bflag:$0x0] =	sbarrier.arrive $0xFFFF  }
0x34: {  	_ =	swait.ge @!p0 [sflag:s5], $0x1400  }
0x35: {  	[sflag:s5] =	ssyncset.done @!p0 $0x0  }
0x36: {  	s6 =	simm.s32 @!p0 $0x7;
	[sflag:s5] =	ssyncadd.s32 @!p0 $0xFFFFEC00  }
0x37: {  	_ =	swait.ge @!p0 [sflag:s6], $0x1400  }
0x38: {  	[sflag:s6] =	ssyncset.done @!p0 $0x0  }
0x39: {  	s5 =	simm.s32 @!p0 $0x8;
	[sflag:s6] =	ssyncadd.s32 @!p0 $0xFFFFEC00  }
0x3a: {  	_ =	swait.ge @!p0 [sflag:s5], $0x1400  }
0x3b: {  	[sflag:s5] =	ssyncset.done @!p0 $0x0  }
0x3c: {  	s6 =	simm.s32 @!p0 $0x9;
	[sflag:s5] =	ssyncadd.s32 @!p0 $0xFFFFEC00  }
0x3d: {  	_ =	swait.ge @!p0 [sflag:s6], $0x1400  }
0x3e: {  	[sflag:s6] =	ssyncset.done @!p0 $0x0  }
0x3f: {  	s5 =	simm.s32 @!p0 $0xA;
	[sflag:s6] =	ssyncadd.s32 @!p0 $0xFFFFEC00  }
0x40: {  	_ =	swait.ge @!p0 [sflag:s5], $0x1400  }
0x41: {  	[sflag:s5] =	ssyncset.done @!p0 $0x0  }
0x42: {  	[sflag:s5] =	ssyncadd.s32 @!p0 $0xFFFFEC00  }
0x43: {  	[tilespmem:s21], [sflag:$0x1] =	stream.indirect.gather [hbm4b:s1+s20], $0x80, s4, s20, $0xb8;
	[tilespmem:$0x1B400] =	vst v63  }
0x44: {  	s8 =	rddreg [dreg:$0x4]  }
0x45: {  	[tilespmem:s22], [sflag:$0x2] =	stream.indirect.gather [hbm4b:s1+s20], $0x80, s8, s20, $0xb8;
	[tilespmem:$0x1B400] =	vst v63  }
0x46: {  	s12 =	rddreg [dreg:$0x5]  }
0x47: {  	[tilespmem:s23], [sflag:$0x3] =	stream.indirect.gather [hbm4b:s1+s20], $0x80, s12, s20, $0xb8;
	[tilespmem:$0x1B400] =	vst v63  }
0x48: {  	s16 =	rddreg [dreg:$0x6]  }
0x49: {  	[tilespmem:s24], [sflag:$0x4] =	stream.indirect.gather [hbm4b:s1+s20], $0x80, s16, s20, $0xb8;
	[tilespmem:$0x1B400] =	vst v63  }
0x4a: {  	s17 =	rddreg [dreg:$0x7]  }
0x4b: {  	[tilespmem:s25], [sflag:$0x5] =	stream.indirect.gather [hbm4b:s1+s20], $0x80, s17, s20, $0xb8;
	[tilespmem:$0x1B400] =	vst v63  }
0x4c: {  	s7 =	simm.s32 $0x400;
	s17 =	rddreg [dreg:$0x1e]  }
0x4d: {  	[tilespmem:s7], [sflag:$0xB] =	stream.linear.gather [hbm4b:s17+s4], $0x280, $0x38;
	[tilespmem:$0x1B400] =	vst v63  }
0x4e: {  	s8 =	rddreg [dreg:$0x1d];
	s12 =	simm.s32 $0xC00  }
0x4f: {  	[tilespmem:s12], [sflag:$0xC] =	stream.linear.gather [hbm4b:s8+s4], $0x280, $0x38;
	[tilespmem:$0x1B400] =	vst v63  }
0x50: {  	_ =	swait.ge [sflag:s29], $0x1400  }
0x51: {  	[sflag:s29] =	ssyncset.done $0x0  }
0x52: {  	[sflag:s29] =	ssyncadd.s32 $0xFFFFEC00  }
0x53: {  	[spmem:s2] =	stream.indirect.scatter.add.f32 [tilespmem:s21], [sflag:$0x6], $0x80, s11, s20, $0xb8;
	[tilespmem:$0x1B400] =	vst v63  }
0x54: {  	_ =	swait.ge [sflag:s30], $0x1400  }
0x55: {  	[sflag:s30] =	ssyncset.done $0x0  }
0x56: {  	s18 =	rddreg [dreg:$0x8];
	[sflag:s30] =	ssyncadd.s32 $0xFFFFEC00  }
0x57: {  	[spmem:s2] =	stream.indirect.scatter.add.f32 [tilespmem:s22], [sflag:$0x7], $0x80, s18, s20, $0xb8;
	[tilespmem:$0x1B400] =	vst v63  }
0x58: {  	_ =	swait.ge [sflag:s31], $0x1400  }
0x59: {  	[sflag:s31] =	ssyncset.done $0x0  }
0x5a: {  	s19 =	rddreg [dreg:$0x9];
	[sflag:s31] =	ssyncadd.s32 $0xFFFFEC00  }
0x5b: {  	[spmem:s2] =	stream.indirect.scatter.add.f32 [tilespmem:s23], [sflag:$0x8], $0x80, s19, s20, $0xb8;
	[tilespmem:$0x1B400] =	vst v63  }
0x5c: {  	_ =	swait.ge [sflag:s0], $0x1400  }
0x5d: {  	[sflag:s0] =	ssyncset.done $0x0  }
0x5e: {  	s26 =	rddreg [dreg:$0xa];
	[sflag:s0] =	ssyncadd.s32 $0xFFFFEC00  }
0x5f: {  	[spmem:s2] =	stream.indirect.scatter.add.f32 [tilespmem:s24], [sflag:$0x9], $0x80, s26, s20, $0xb8;
	[tilespmem:$0x1B400] =	vst v63  }
0x60: {  	_ =	swait.ge [sflag:s3], $0x1400  }
0x61: {  	[sflag:s3] =	ssyncset.done $0x0  }
0x62: {  	s28 =	rddreg [dreg:$0xb];
	[sflag:s3] =	ssyncadd.s32 $0xFFFFEC00  }
0x63: {  	[spmem:s2] =	stream.indirect.scatter.add.f32 [tilespmem:s25], [sflag:$0xA], $0x80, s28, s20, $0xb8;
	[tilespmem:$0x1B400] =	vst v63  }
0x64: {  	_ =	swait.ge [sflag:s9], $0x280  }
0x65: {  	[sflag:s9] =	ssyncset.done $0x0  }
0x66: {  	[sflag:s9] =	ssyncadd.s32 $0xFFFFFD80  }
0x67: {  	_ =	swait.ge [sflag:s10], $0x280  }
0x68: {  	[sflag:s10] =	ssyncset.done $0x0  }
0x69: {  	s6 =	simm.s32 $0x6;
	[sflag:s10] =	ssyncadd.s32 $0xFFFFFD80  }
0x6a: {  	_ =	swait.ge [sflag:s6], $0x1400  }
0x6b: {  	[sflag:s6] =	ssyncset.done $0x0  }
0x6c: {  	s16 =	simm.s32 $0x7;
	[sflag:s6] =	ssyncadd.s32 $0xFFFFEC00  }
0x6d: {  	_ =	swait.ge [sflag:s16], $0x1400  }
0x6e: {  	[sflag:s16] =	ssyncset.done $0x0  }
0x6f: {  	[sflag:s16] =	ssyncadd.s32 $0xFFFFEC00  }
0x70: {  	_ =	swait.ge [sflag:s13], $0x1400  }
0x71: {  	[sflag:s13] =	ssyncset.done $0x0  }
0x72: {  	[sflag:s13] =	ssyncadd.s32 $0xFFFFEC00  }
0x73: {  	_ =	swait.ge [sflag:s14], $0x1400  }
0x74: {  	[sflag:s14] =	ssyncset.done $0x0  }
0x75: {  	[sflag:s14] =	ssyncadd.s32 $0xFFFFEC00  }
0x76: {  	_ =	swait.ge [sflag:s15], $0x1400  }
0x77: {  	[sflag:s15] =	ssyncset.done $0x0;
	s18 =	rddreg [dreg:$0xc]  }
0x78: {  	s16 =	rddreg [dreg:$0xd];
	[sflag:s15] =	ssyncadd.s32 $0xFFFFEC00  }
0x79: {  	[tilespmem:s21], [sflag:$0x1] =	stream.indirect.gather [hbm4b:s1+s20], $0x80, s7, s20, $0xb8;
	[tilespmem:$0x1B400] =	vst v63  }
0x7a: {  	s19 =	smin.u32 s4, $0x2F;
	s26 =	rddreg [dreg:$0xe]  }
0x7b: {  	[tilespmem:s22], [sflag:$0x2] =	stream.indirect.gather [hbm4b:s1+s20], $0x80, s18, s20, $0xb8;
	[tilespmem:$0x1B400] =	vst v63  }
0x7c: {  	s6 =	sshll.u32 s19, $0xA;
	s28 =	rddreg [dreg:$0xf]  }
0x7d: {  	[tilespmem:s23], [sflag:$0x3] =	stream.indirect.gather [hbm4b:s1+s20], $0x80, s16, s20, $0xb8;
	[tilespmem:$0x1B400] =	vst v63  }
0x7e: {  	s6 =	sadd.s32 $0x800, s6;
	s18 =	rddreg [dreg:$0x17]  }
0x7f: {  	[tilespmem:s24], [sflag:$0x4] =	stream.indirect.gather [hbm4b:s1+s20], $0x80, s26, s20, $0xb8;
	[tilespmem:$0x1B400] =	vst v63  }
0x80: {  	s19 =	rddreg [dreg:$0x15];
	s18 =	sadd.s32 s18, s6  }
0x81: {  	[tilespmem:s25], [sflag:$0x5] =	stream.indirect.gather [hbm4b:s1+s20], $0x80, s28, s20, $0xb8;
	[tilespmem:$0x1B400] =	vst v63  }
0x82: {  	s5 =	sadd.s32 s19, s6;
	s26 =	sshrl.u32 s18, $0x3;
	s28 =	rddreg [dreg:$0x14]  }
0x83: {  	s5 =	sshrl.u32 s5, $0x3;
	s16 =	rddreg [dreg:$0x16];
	s6 =	sadd.s32 s28, s26  }
0x84: {  	[tilespmem:s4], [sflag:$0xB] =	stream.linear.gather [hbm4b:s6+s4], $0x280, $0x38;
	[tilespmem:$0x1B400] =	vst v63  }
0x85: {  	s5 =	sadd.s32 s16, s5  }
0x86: {  	[tilespmem:s11], [sflag:$0xC] =	stream.linear.gather [hbm4b:s5+s4], $0x280, $0x38;
	[tilespmem:$0x1B400] =	vst v63  }
0x87: {  	_ =	swait.ge [sflag:s29], $0x1400  }
0x88: {  	[sflag:s29] =	ssyncset.done $0x0  }
0x89: {  	[sflag:s29] =	ssyncadd.s32 $0xFFFFEC00  }
0x8a: {  	[spmem:s2] =	stream.indirect.scatter.add.f32 [tilespmem:s21], [sflag:$0x6], $0x80, s12, s20, $0xb8;
	[tilespmem:$0x1B400] =	vst v63  }
0x8b: {  	_ =	swait.ge [sflag:s30], $0x1400  }
0x8c: {  	[sflag:s30] =	ssyncset.done $0x0  }
0x8d: {  	s18 =	rddreg [dreg:$0x10];
	[sflag:s30] =	ssyncadd.s32 $0xFFFFEC00  }
0x8e: {  	[spmem:s2] =	stream.indirect.scatter.add.f32 [tilespmem:s22], [sflag:$0x7], $0x80, s18, s20, $0xb8;
	[tilespmem:$0x1B400] =	vst v63  }
0x8f: {  	_ =	swait.ge [sflag:s31], $0x1400  }
0x90: {  	[sflag:s31] =	ssyncset.done $0x0  }
0x91: {  	s19 =	rddreg [dreg:$0x11];
	[sflag:s31] =	ssyncadd.s32 $0xFFFFEC00  }
0x92: {  	[spmem:s2] =	stream.indirect.scatter.add.f32 [tilespmem:s23], [sflag:$0x8], $0x80, s19, s20, $0xb8;
	[tilespmem:$0x1B400] =	vst v63  }
0x93: {  	_ =	swait.ge [sflag:s0], $0x1400  }
0x94: {  	[sflag:s0] =	ssyncset.done $0x0  }
0x95: {  	s26 =	rddreg [dreg:$0x12];
	[sflag:s0] =	ssyncadd.s32 $0xFFFFEC00  }
0x96: {  	[spmem:s2] =	stream.indirect.scatter.add.f32 [tilespmem:s24], [sflag:$0x9], $0x80, s26, s20, $0xb8;
	[tilespmem:$0x1B400] =	vst v63  }
0x97: {  	s16 =	sadd.s32 $0x100, s8;
	_ =	swait.ge [sflag:s3], $0x1400  }
0x98: {  	s5 =	simm.s32 $0x4;
	s18 =	sadd.s32 $0x100, s17;
	[sflag:s3] =	ssyncset.done $0x0  }
0x99: {  	s19 =	simm.s32 $0x2;
	s28 =	rddreg [dreg:$0x13];
	[sflag:s3] =	ssyncadd.s32 $0xFFFFEC00  }
0x9a: {  	[spmem:s2] =	stream.indirect.scatter.add.f32 [tilespmem:s25], [sflag:$0xA], $0x80, s28, s20, $0xb8;
	[tilespmem:$0x1B400] =	vst v63  }
.LBB2_2:
0x9b: {  	_ =	swait.ge [sflag:s9], $0x280  }
0x9c: {  	[sflag:s9] =	ssyncset.done $0x0  }
0x9d: {  	[sflag:s9] =	ssyncadd.s32 $0xFFFFFD80  }
0x9e: {  	_ =	swait.ge [sflag:s10], $0x280  }
0x9f: {  	p1 =	seq.s32 s19, $0x0;
	[sflag:s10] =	ssyncset.done $0x0  }
0xa0: {  	s7 =	simm.s32 @!p1 $0x6;
	[sflag:s10] =	ssyncadd.s32 $0xFFFFFD80  }
0xa1: {  	_ =	swait.ge @!p1 [sflag:s7], $0x1400  }
0xa2: {  	[sflag:s7] =	ssyncset.done @!p1 $0x0  }
0xa3: {  	s8 =	simm.s32 @!p1 $0x7;
	[sflag:s7] =	ssyncadd.s32 @!p1 $0xFFFFEC00  }
0xa4: {  	_ =	swait.ge @!p1 [sflag:s8], $0x1400  }
0xa5: {  	[sflag:s8] =	ssyncset.done @!p1 $0x0  }
0xa6: {  	s17 =	simm.s32 @!p1 $0x8;
	[sflag:s8] =	ssyncadd.s32 @!p1 $0xFFFFEC00  }
0xa7: {  	_ =	swait.ge @!p1 [sflag:s17], $0x1400  }
0xa8: {  	[sflag:s17] =	ssyncset.done @!p1 $0x0  }
0xa9: {  	s7 =	simm.s32 @!p1 $0x9;
	[sflag:s17] =	ssyncadd.s32 @!p1 $0xFFFFEC00  }
0xaa: {  	_ =	swait.ge @!p1 [sflag:s7], $0x1400  }
0xab: {  	[sflag:s7] =	ssyncset.done @!p1 $0x0  }
0xac: {  	s8 =	simm.s32 @!p1 $0xA;
	[sflag:s7] =	ssyncadd.s32 @!p1 $0xFFFFEC00  }
0xad: {  	_ =	swait.ge @!p1 [sflag:s8], $0x1400  }
0xae: {  	[sflag:s8] =	ssyncset.done @!p1 $0x0  }
0xaf: {  	[sflag:s8] =	ssyncadd.s32 @!p1 $0xFFFFEC00  }
0xb0: {  	[tilespmem:s21], [sflag:$0x1] =	stream.indirect.gather [hbm4b:s1+s20], $0x80, s4, s20, $0xb8;
	[tilespmem:$0x1B400] =	vst v63  }
0xb1: {  	s12 =	rddreg [dreg:$0x4]  }
0xb2: {  	[tilespmem:s22], [sflag:$0x2] =	stream.indirect.gather [hbm4b:s1+s20], $0x80, s12, s20, $0xb8;
	[tilespmem:$0x1B400] =	vst v63  }
0xb3: {  	s11 =	rddreg [dreg:$0x5]  }
0xb4: {  	[tilespmem:s23], [sflag:$0x3] =	stream.indirect.gather [hbm4b:s1+s20], $0x80, s11, s20, $0xb8;
	[tilespmem:$0x1B400] =	vst v63  }
0xb5: {  	s17 =	rddreg [dreg:$0x6]  }
0xb6: {  	[tilespmem:s24], [sflag:$0x4] =	stream.indirect.gather [hbm4b:s1+s20], $0x80, s17, s20, $0xb8;
	[tilespmem:$0x1B400] =	vst v63  }
0xb7: {  	s26 =	rddreg [dreg:$0x7]  }
0xb8: {  	[tilespmem:s25], [sflag:$0x5] =	stream.indirect.gather [hbm4b:s1+s20], $0x80, s26, s20, $0xb8;
	[tilespmem:$0x1B400] =	vst v63  }
0xb9: {  	s26 =	simm.s32 $0x400  }
0xba: {  	[tilespmem:s26], [sflag:$0xB] =	stream.linear.gather [hbm4b:s18+s4], $0x280, $0x38;
	[tilespmem:$0x1B400] =	vst v63  }
0xbb: {  	s12 =	simm.s32 $0xC00  }
0xbc: {  	[tilespmem:s12], [sflag:$0xC] =	stream.linear.gather [hbm4b:s16+s4], $0x280, $0x38;
	[tilespmem:$0x1B400] =	vst v63  }
0xbd: {  	_ =	swait.ge [sflag:s29], $0x1400  }
0xbe: {  	[sflag:s29] =	ssyncset.done $0x0  }
0xbf: {  	s11 =	simm.s32 $0x800;
	[sflag:s29] =	ssyncadd.s32 $0xFFFFEC00  }
0xc0: {  	[spmem:s2] =	stream.indirect.scatter.add.f32 [tilespmem:s21], [sflag:$0x6], $0x80, s11, s20, $0xb8;
	[tilespmem:$0x1B400] =	vst v63  }
0xc1: {  	_ =	swait.ge [sflag:s30], $0x1400  }
0xc2: {  	[sflag:s30] =	ssyncset.done $0x0  }
0xc3: {  	s28 =	rddreg [dreg:$0x8];
	[sflag:s30] =	ssyncadd.s32 $0xFFFFEC00  }
0xc4: {  	[spmem:s2] =	stream.indirect.scatter.add.f32 [tilespmem:s22], [sflag:$0x7], $0x80, s28, s20, $0xb8;
	[tilespmem:$0x1B400] =	vst v63  }
0xc5: {  	_ =	swait.ge [sflag:s31], $0x1400  }
0xc6: {  	[sflag:s31] =	ssyncset.done $0x0  }
0xc7: {  	s8 =	rddreg [dreg:$0x9];
	[sflag:s31] =	ssyncadd.s32 $0xFFFFEC00  }
0xc8: {  	[spmem:s2] =	stream.indirect.scatter.add.f32 [tilespmem:s23], [sflag:$0x8], $0x80, s8, s20, $0xb8;
	[tilespmem:$0x1B400] =	vst v63  }
0xc9: {  	_ =	swait.ge [sflag:s0], $0x1400  }
0xca: {  	[sflag:s0] =	ssyncset.done $0x0  }
0xcb: {  	s17 =	rddreg [dreg:$0xa];
	[sflag:s0] =	ssyncadd.s32 $0xFFFFEC00  }
0xcc: {  	[spmem:s2] =	stream.indirect.scatter.add.f32 [tilespmem:s24], [sflag:$0x9], $0x80, s17, s20, $0xb8;
	[tilespmem:$0x1B400] =	vst v63  }
0xcd: {  	_ =	swait.ge [sflag:s3], $0x1400  }
0xce: {  	[sflag:s3] =	ssyncset.done $0x0  }
0xcf: {  	s28 =	rddreg [dreg:$0xb];
	[sflag:s3] =	ssyncadd.s32 $0xFFFFEC00  }
0xd0: {  	[spmem:s2] =	stream.indirect.scatter.add.f32 [tilespmem:s25], [sflag:$0xA], $0x80, s28, s20, $0xb8;
	[tilespmem:$0x1B400] =	vst v63  }
0xd1: {  	_ =	swait.ge [sflag:s9], $0x280  }
0xd2: {  	[sflag:s9] =	ssyncset.done $0x0  }
0xd3: {  	[sflag:s9] =	ssyncadd.s32 $0xFFFFFD80  }
0xd4: {  	_ =	swait.ge [sflag:s10], $0x280  }
0xd5: {  	[sflag:s10] =	ssyncset.done $0x0  }
0xd6: {  	s8 =	simm.s32 $0x6;
	[sflag:s10] =	ssyncadd.s32 $0xFFFFFD80  }
0xd7: {  	_ =	swait.ge [sflag:s8], $0x1400  }
0xd8: {  	[sflag:s8] =	ssyncset.done $0x0  }
0xd9: {  	s17 =	simm.s32 $0x7;
	[sflag:s8] =	ssyncadd.s32 $0xFFFFEC00  }
0xda: {  	_ =	swait.ge [sflag:s17], $0x1400  }
0xdb: {  	[sflag:s17] =	ssyncset.done $0x0  }
0xdc: {  	[sflag:s17] =	ssyncadd.s32 $0xFFFFEC00  }
0xdd: {  	_ =	swait.ge [sflag:s13], $0x1400  }
0xde: {  	[sflag:s13] =	ssyncset.done $0x0  }
0xdf: {  	[sflag:s13] =	ssyncadd.s32 $0xFFFFEC00  }
0xe0: {  	_ =	swait.ge [sflag:s14], $0x1400  }
0xe1: {  	[sflag:s14] =	ssyncset.done $0x0  }
0xe2: {  	[sflag:s14] =	ssyncadd.s32 $0xFFFFEC00  }
0xe3: {  	_ =	swait.ge [sflag:s15], $0x1400  }
0xe4: {  	s6 =	smov.u32 s5;
	s7 =	rddreg [dreg:$0xd]  }
0xe5: {  	s28 =	smin.u32 s19, $0x2F;
	[sflag:s15] =	ssyncset.done $0x0;
	s8 =	rddreg [dreg:$0xc]  }
0xe6: {  	s28 =	sshll.u32 s28, $0xA;
	s17 =	rddreg [dreg:$0xe];
	[sflag:s15] =	ssyncadd.s32 $0xFFFFEC00  }
0xe7: {  	[tilespmem:s21], [sflag:$0x1] =	stream.indirect.gather [hbm4b:s1+s20], $0x80, s26, s20, $0xb8;
	[tilespmem:$0x1B400] =	vst v63  }
0xe8: {  	s19 =	smov.u32 s6;
	s6 =	sadd.s32 $0x800, s28;
	s28 =	rddreg [dreg:$0x15]  }
0xe9: {  	[tilespmem:s22], [sflag:$0x2] =	stream.indirect.gather [hbm4b:s1+s20], $0x80, s8, s20, $0xb8;
	[tilespmem:$0x1B400] =	vst v63  }
0xea: {  	s8 =	rddreg [dreg:$0x17]  }
0xeb: {  	[tilespmem:s23], [sflag:$0x3] =	stream.indirect.gather [hbm4b:s1+s20], $0x80, s7, s20, $0xb8;
	[tilespmem:$0x1B400] =	vst v63  }
0xec: {  	s26 =	rddreg [dreg:$0xf];
	s7 =	sadd.s32 s8, s6  }
0xed: {  	[tilespmem:s24], [sflag:$0x4] =	stream.indirect.gather [hbm4b:s1+s20], $0x80, s17, s20, $0xb8;
	[tilespmem:$0x1B400] =	vst v63  }
0xee: {  	s6 =	sadd.s32 s28, s6;
	s28 =	rddreg [dreg:$0x14];
	s7 =	sshrl.u32 s7, $0x3  }
0xef: {  	[tilespmem:s25], [sflag:$0x5] =	stream.indirect.gather [hbm4b:s1+s20], $0x80, s26, s20, $0xb8;
	[tilespmem:$0x1B400] =	vst v63  }
0xf0: {  	s8 =	rddreg [dreg:$0x16];
	s6 =	sshrl.u32 s6, $0x3;
	s7 =	sadd.s32 s28, s7  }
0xf1: {  	[tilespmem:s4], [sflag:$0xB] =	stream.linear.gather [hbm4b:s7+s4], $0x280, $0x38;
	[tilespmem:$0x1B400] =	vst v63  }
0xf2: {  	s6 =	sadd.s32 s8, s6  }
0xf3: {  	[tilespmem:s11], [sflag:$0xC] =	stream.linear.gather [hbm4b:s6+s4], $0x280, $0x38;
	[tilespmem:$0x1B400] =	vst v63  }
0xf4: {  	_ =	swait.ge [sflag:s29], $0x1400  }
0xf5: {  	[sflag:s29] =	ssyncset.done $0x0  }
0xf6: {  	[sflag:s29] =	ssyncadd.s32 $0xFFFFEC00  }
0xf7: {  	[spmem:s2] =	stream.indirect.scatter.add.f32 [tilespmem:s21], [sflag:$0x6], $0x80, s12, s20, $0xb8;
	[tilespmem:$0x1B400] =	vst v63  }
0xf8: {  	_ =	swait.ge [sflag:s30], $0x1400  }
0xf9: {  	[sflag:s30] =	ssyncset.done $0x0  }
0xfa: {  	s12 =	rddreg [dreg:$0x10];
	[sflag:s30] =	ssyncadd.s32 $0xFFFFEC00  }
0xfb: {  	[spmem:s2] =	stream.indirect.scatter.add.f32 [tilespmem:s22], [sflag:$0x7], $0x80, s12, s20, $0xb8;
	[tilespmem:$0x1B400] =	vst v63  }
0xfc: {  	_ =	swait.ge [sflag:s31], $0x1400  }
0xfd: {  	[sflag:s31] =	ssyncset.done $0x0  }
0xfe: {  	s17 =	rddreg [dreg:$0x11];
	[sflag:s31] =	ssyncadd.s32 $0xFFFFEC00  }
0xff: {  	[spmem:s2] =	stream.indirect.scatter.add.f32 [tilespmem:s23], [sflag:$0x8], $0x80, s17, s20, $0xb8;
	[tilespmem:$0x1B400] =	vst v63  }
0x100: {  	_ =	swait.ge [sflag:s0], $0x1400  }
0x101: {  	s5 =	sadd.s32 $0x2, s5;
	[sflag:s0] =	ssyncset.done $0x0  }
0x102: {  	p0 =	sne.s32 s5, $0x32;
	s26 =	rddreg [dreg:$0x12];
	[sflag:s0] =	ssyncadd.s32 $0xFFFFEC00  }
0x103: {  	[spmem:s2] =	stream.indirect.scatter.add.f32 [tilespmem:s24], [sflag:$0x9], $0x80, s26, s20, $0xb8;
	[tilespmem:$0x1B400] =	vst v63  }
.Ltmp0:
0x104: {  	_ = 	snop;
	(pc) =	sbr.rel @p0 .LBB2_2-.Ltmp0, $4  }
0x105: {  	_ =	swait.ge [sflag:s3], $0x1400  }
0x106: {  	s18 =	sadd.s32 $0x100, s18;
	[sflag:s3] =	ssyncset.done $0x0  }
0x107: {  	s16 =	sadd.s32 $0x100, s16;
	s28 =	rddreg [dreg:$0x13];
	[sflag:s3] =	ssyncadd.s32 $0xFFFFEC00  }
0x108: {  	[spmem:s2] =	stream.indirect.scatter.add.f32 [tilespmem:s25], [sflag:$0xA], $0x80, s28, s20, $0xb8;
	[tilespmem:$0x1B400] =	vst v63  }
0x109: {  	_ =	swait.ge [sflag:s9], $0x280  }
0x10a: {  	[sflag:s9] =	ssyncset.done $0x0  }
0x10b: {  	[sflag:s9] =	ssyncadd.s32 $0xFFFFFD80  }
0x10c: {  	_ =	swait.ge [sflag:s10], $0x280  }
0x10d: {  	p0 =	seq.s32 s19, $0x0;
	[sflag:s10] =	ssyncset.done $0x0  }
0x10e: {  	s5 =	simm.s32 @!p0 $0x6;
	[sflag:s10] =	ssyncadd.s32 $0xFFFFFD80  }
0x10f: {  	_ =	swait.ge @!p0 [sflag:s5], $0x1400  }
0x110: {  	[sflag:s5] =	ssyncset.done @!p0 $0x0  }
0x111: {  	s6 =	simm.s32 @!p0 $0x7;
	[sflag:s5] =	ssyncadd.s32 @!p0 $0xFFFFEC00  }
0x112: {  	_ =	swait.ge @!p0 [sflag:s6], $0x1400  }
0x113: {  	[sflag:s6] =	ssyncset.done @!p0 $0x0  }
0x114: {  	s5 =	simm.s32 @!p0 $0x8;
	[sflag:s6] =	ssyncadd.s32 @!p0 $0xFFFFEC00  }
0x115: {  	_ =	swait.ge @!p0 [sflag:s5], $0x1400  }
0x116: {  	[sflag:s5] =	ssyncset.done @!p0 $0x0  }
0x117: {  	s6 =	simm.s32 @!p0 $0x9;
	[sflag:s5] =	ssyncadd.s32 @!p0 $0xFFFFEC00  }
0x118: {  	_ =	swait.ge @!p0 [sflag:s6], $0x1400  }
0x119: {  	[sflag:s6] =	ssyncset.done @!p0 $0x0  }
0x11a: {  	s5 =	simm.s32 @!p0 $0xA;
	[sflag:s6] =	ssyncadd.s32 @!p0 $0xFFFFEC00  }
0x11b: {  	_ =	swait.ge @!p0 [sflag:s5], $0x1400  }
0x11c: {  	[sflag:s5] =	ssyncset.done @!p0 $0x0  }
0x11d: {  	[sflag:s5] =	ssyncadd.s32 @!p0 $0xFFFFEC00  }
0x11e: {  	[tilespmem:s21], [sflag:$0x1] =	stream.indirect.gather [hbm4b:s1+s20], $0x80, s4, s20, $0xb8;
	[tilespmem:$0x1B400] =	vst v63  }
0x11f: {  	s12 =	rddreg [dreg:$0x4]  }
0x120: {  	[tilespmem:s22], [sflag:$0x2] =	stream.indirect.gather [hbm4b:s1+s20], $0x80, s12, s20, $0xb8;
	[tilespmem:$0x1B400] =	vst v63  }
0x121: {  	s17 =	rddreg [dreg:$0x5]  }
0x122: {  	[tilespmem:s23], [sflag:$0x3] =	stream.indirect.gather [hbm4b:s1+s20], $0x80, s17, s20, $0xb8;
	[tilespmem:$0x1B400] =	vst v63  }
0x123: {  	s26 =	rddreg [dreg:$0x6]  }
0x124: {  	[tilespmem:s24], [sflag:$0x4] =	stream.indirect.gather [hbm4b:s1+s20], $0x80, s26, s20, $0xb8;
	[tilespmem:$0x1B400] =	vst v63  }
0x125: {  	s28 =	rddreg [dreg:$0x7]  }
0x126: {  	[tilespmem:s25], [sflag:$0x5] =	stream.indirect.gather [hbm4b:s1+s20], $0x80, s28, s20, $0xb8;
	[tilespmem:$0x1B400] =	vst v63  }
0x127: {  	s7 =	simm.s32 $0x400  }
0x128: {  	[tilespmem:s7], [sflag:$0xB] =	stream.linear.gather [hbm4b:s18+s4], $0x280, $0x38;
	[tilespmem:$0x1B400] =	vst v63  }
0x129: {  	s11 =	simm.s32 $0xC00  }
0x12a: {  	[tilespmem:s11], [sflag:$0xC] =	stream.linear.gather [hbm4b:s16+s4], $0x280, $0x38;
	[tilespmem:$0x1B400] =	vst v63  }
0x12b: {  	_ =	swait.ge [sflag:s29], $0x1400  }
0x12c: {  	[sflag:s29] =	ssyncset.done $0x0  }
0x12d: {  	s8 =	simm.s32 $0x800;
	[sflag:s29] =	ssyncadd.s32 $0xFFFFEC00  }
0x12e: {  	[spmem:s2] =	stream.indirect.scatter.add.f32 [tilespmem:s21], [sflag:$0x6], $0x80, s8, s20, $0xb8;
	[tilespmem:$0x1B400] =	vst v63  }
0x12f: {  	_ =	swait.ge [sflag:s30], $0x1400  }
0x130: {  	[sflag:s30] =	ssyncset.done $0x0  }
0x131: {  	s16 =	rddreg [dreg:$0x8];
	[sflag:s30] =	ssyncadd.s32 $0xFFFFEC00  }
0x132: {  	[spmem:s2] =	stream.indirect.scatter.add.f32 [tilespmem:s22], [sflag:$0x7], $0x80, s16, s20, $0xb8;
	[tilespmem:$0x1B400] =	vst v63  }
0x133: {  	_ =	swait.ge [sflag:s31], $0x1400  }
0x134: {  	[sflag:s31] =	ssyncset.done $0x0  }
0x135: {  	s17 =	rddreg [dreg:$0x9];
	[sflag:s31] =	ssyncadd.s32 $0xFFFFEC00  }
0x136: {  	[spmem:s2] =	stream.indirect.scatter.add.f32 [tilespmem:s23], [sflag:$0x8], $0x80, s17, s20, $0xb8;
	[tilespmem:$0x1B400] =	vst v63  }
0x137: {  	_ =	swait.ge [sflag:s0], $0x1400  }
0x138: {  	[sflag:s0] =	ssyncset.done $0x0  }
0x139: {  	s18 =	rddreg [dreg:$0xa];
	[sflag:s0] =	ssyncadd.s32 $0xFFFFEC00  }
0x13a: {  	[spmem:s2] =	stream.indirect.scatter.add.f32 [tilespmem:s24], [sflag:$0x9], $0x80, s18, s20, $0xb8;
	[tilespmem:$0x1B400] =	vst v63  }
0x13b: {  	_ =	swait.ge [sflag:s3], $0x1400  }
0x13c: {  	[sflag:s3] =	ssyncset.done $0x0  }
0x13d: {  	s26 =	rddreg [dreg:$0xb];
	[sflag:s3] =	ssyncadd.s32 $0xFFFFEC00  }
0x13e: {  	[spmem:s2] =	stream.indirect.scatter.add.f32 [tilespmem:s25], [sflag:$0xA], $0x80, s26, s20, $0xb8;
	[tilespmem:$0x1B400] =	vst v63  }
0x13f: {  	_ =	swait.ge [sflag:s9], $0x280  }
0x140: {  	[sflag:s9] =	ssyncset.done $0x0  }
0x141: {  	[sflag:s9] =	ssyncadd.s32 $0xFFFFFD80  }
0x142: {  	_ =	swait.ge [sflag:s10], $0x280  }
0x143: {  	[sflag:s10] =	ssyncset.done $0x0  }
0x144: {  	s12 =	simm.s32 $0x6;
	[sflag:s10] =	ssyncadd.s32 $0xFFFFFD80  }
0x145: {  	_ =	swait.ge [sflag:s12], $0x1400  }
0x146: {  	[sflag:s12] =	ssyncset.done $0x0  }
0x147: {  	s16 =	simm.s32 $0x7;
	[sflag:s12] =	ssyncadd.s32 $0xFFFFEC00  }
0x148: {  	_ =	swait.ge [sflag:s16], $0x1400  }
0x149: {  	[sflag:s16] =	ssyncset.done $0x0  }
0x14a: {  	[sflag:s16] =	ssyncadd.s32 $0xFFFFEC00  }
0x14b: {  	_ =	swait.ge [sflag:s13], $0x1400  }
0x14c: {  	[sflag:s13] =	ssyncset.done $0x0  }
0x14d: {  	[sflag:s13] =	ssyncadd.s32 $0xFFFFEC00  }
0x14e: {  	_ =	swait.ge [sflag:s14], $0x1400  }
0x14f: {  	[sflag:s14] =	ssyncset.done $0x0  }
0x150: {  	[sflag:s14] =	ssyncadd.s32 $0xFFFFEC00  }
0x151: {  	_ =	swait.ge [sflag:s15], $0x1400  }
0x152: {  	s28 =	rddreg [dreg:$0xc]  }
0x153: {  	[sflag:s15] =	ssyncset.done $0x0;
	s17 =	rddreg [dreg:$0xe]  }
0x154: {  	s18 =	smin.u32 s19, $0x2F;
	s19 =	rddreg [dreg:$0xf];
	[sflag:s15] =	ssyncadd.s32 $0xFFFFEC00  }
0x155: {  	[tilespmem:s21], [sflag:$0x1] =	stream.indirect.gather [hbm4b:s1+s20], $0x80, s7, s20, $0xb8;
	[tilespmem:$0x1B400] =	vst v63  }
0x156: {  	s5 =	sshll.u32 s18, $0xA;
	s26 =	rddreg [dreg:$0x17]  }
0x157: {  	[tilespmem:s22], [sflag:$0x2] =	stream.indirect.gather [hbm4b:s1+s20], $0x80, s28, s20, $0xb8;
	[tilespmem:$0x1B400] =	vst v63  }
0x158: {  	s5 =	sadd.s32 $0x800, s5;
	s7 =	rddreg [dreg:$0xd]  }
0x159: {  	[tilespmem:s23], [sflag:$0x3] =	stream.indirect.gather [hbm4b:s1+s20], $0x80, s7, s20, $0xb8;
	[tilespmem:$0x1B400] =	vst v63  }
0x15a: {  	s6 =	sadd.s32 s26, s5;
	s28 =	rddreg [dreg:$0x15]  }
0x15b: {  	[tilespmem:s24], [sflag:$0x4] =	stream.indirect.gather [hbm4b:s1+s20], $0x80, s17, s20, $0xb8;
	[tilespmem:$0x1B400] =	vst v63  }
0x15c: {  	s6 =	sshrl.u32 s6, $0x3;
	s5 =	sadd.s32 s28, s5;
	s7 =	rddreg [dreg:$0x14]  }
0x15d: {  	[tilespmem:s25], [sflag:$0x5] =	stream.indirect.gather [hbm4b:s1+s20], $0x80, s19, s20, $0xb8;
	[tilespmem:$0x1B400] =	vst v63  }
0x15e: {  	s5 =	sshrl.u32 s5, $0x3;
	s6 =	sadd.s32 s7, s6;
	s7 =	rddreg [dreg:$0x16]  }
0x15f: {  	[tilespmem:s4], [sflag:$0xB] =	stream.linear.gather [hbm4b:s6+s4], $0x280, $0x38;
	[tilespmem:$0x1B400] =	vst v63  }
0x160: {  	s5 =	sadd.s32 s7, s5  }
0x161: {  	[tilespmem:s8], [sflag:$0xC] =	stream.linear.gather [hbm4b:s5+s4], $0x280, $0x38;
	[tilespmem:$0x1B400] =	vst v63  }
0x162: {  	_ =	swait.ge [sflag:s29], $0x1400  }
0x163: {  	[sflag:s29] =	ssyncset.done $0x0  }
0x164: {  	[sflag:s29] =	ssyncadd.s32 $0xFFFFEC00  }
0x165: {  	[spmem:s2] =	stream.indirect.scatter.add.f32 [tilespmem:s21], [sflag:$0x6], $0x80, s11, s20, $0xb8;
	[tilespmem:$0x1B400] =	vst v63  }
0x166: {  	_ =	swait.ge [sflag:s30], $0x1400  }
0x167: {  	[sflag:s30] =	ssyncset.done $0x0  }
0x168: {  	s8 =	rddreg [dreg:$0x10];
	[sflag:s30] =	ssyncadd.s32 $0xFFFFEC00  }
0x169: {  	[spmem:s2] =	stream.indirect.scatter.add.f32 [tilespmem:s22], [sflag:$0x7], $0x80, s8, s20, $0xb8;
	[tilespmem:$0x1B400] =	vst v63  }
0x16a: {  	_ =	swait.ge [sflag:s31], $0x1400  }
0x16b: {  	[sflag:s31] =	ssyncset.done $0x0  }
0x16c: {  	s11 =	rddreg [dreg:$0x11];
	[sflag:s31] =	ssyncadd.s32 $0xFFFFEC00  }
0x16d: {  	[spmem:s2] =	stream.indirect.scatter.add.f32 [tilespmem:s23], [sflag:$0x8], $0x80, s11, s20, $0xb8;
	[tilespmem:$0x1B400] =	vst v63  }
0x16e: {  	_ =	swait.ge [sflag:s0], $0x1400  }
0x16f: {  	[sflag:s0] =	ssyncset.done $0x0  }
0x170: {  	s17 =	rddreg [dreg:$0x12];
	[sflag:s0] =	ssyncadd.s32 $0xFFFFEC00  }
0x171: {  	[spmem:s2] =	stream.indirect.scatter.add.f32 [tilespmem:s24], [sflag:$0x9], $0x80, s17, s20, $0xb8;
	[tilespmem:$0x1B400] =	vst v63  }
0x172: {  	_ =	swait.ge [sflag:s3], $0x1400  }
0x173: {  	[sflag:s3] =	ssyncset.done $0x0  }
0x174: {  	s18 =	rddreg [dreg:$0x13];
	[sflag:s3] =	ssyncadd.s32 $0xFFFFEC00  }
0x175: {  	[spmem:s2] =	stream.indirect.scatter.add.f32 [tilespmem:s25], [sflag:$0xA], $0x80, s18, s20, $0xb8;
	[tilespmem:$0x1B400] =	vst v63  }
0x176: {  	_ =	swait.ge [sflag:s9], $0x280  }
0x177: {  	[sflag:s9] =	ssyncset.done $0x0  }
0x178: {  	[sflag:s9] =	ssyncadd.s32 $0xFFFFFD80  }
0x179: {  	_ =	swait.ge [sflag:s10], $0x280  }
0x17a: {  	[sflag:s10] =	ssyncset.done $0x0  }
0x17b: {  	[sflag:s10] =	ssyncadd.s32 $0xFFFFFD80  }
0x17c: {  	_ =	swait.ge [sflag:s12], $0x1400  }
0x17d: {  	[sflag:s12] =	ssyncset.done $0x0  }
0x17e: {  	[sflag:s12] =	ssyncadd.s32 $0xFFFFEC00  }
0x17f: {  	_ =	swait.ge [sflag:s16], $0x1400  }
0x180: {  	[sflag:s16] =	ssyncset.done $0x0  }
0x181: {  	[sflag:s16] =	ssyncadd.s32 $0xFFFFEC00  }
0x182: {  	_ =	swait.ge [sflag:s13], $0x1400  }
0x183: {  	[sflag:s13] =	ssyncset.done $0x0  }
0x184: {  	[sflag:s13] =	ssyncadd.s32 $0xFFFFEC00  }
0x185: {  	_ =	swait.ge [sflag:s14], $0x1400  }
0x186: {  	[sflag:s14] =	ssyncset.done $0x0  }
0x187: {  	[sflag:s14] =	ssyncadd.s32 $0xFFFFEC00  }
0x188: {  	_ =	swait.ge [sflag:s15], $0x1400  }
0x189: {  	[sflag:s15] =	ssyncset.done $0x0  }
0x18a: {  	[sflag:s15] =	ssyncadd.s32 $0xFFFFEC00  }
0x18b: {  	[bflag:$0x0] =	sbarrier.arrive $0xFFFF  }
0x18c: {  	s8 =	sld [smem:$0x7FD]  }
0x18d: {  	s19 =	rddreg [dreg:$0x1c]  }
0x18e: {  	s6 =	simm.s32 $0xD;
	s7 =	rddreg [dreg:$0x1f]  }
0x18f: {  	[hbm:s19], [sflag:s7] =	dma.local [spmem:s8], $0x2800  }
0x190: {  	_ =	swait.ge [sflag:s6], $0x2800  }
0x191: {  	s26 =	sld [smem:$0x7FC];
	_ =	sdelay $0x2  }
0x192: {  	s28 =	rddreg [dreg:$0x1b];
	s11 =	sadd.s32 $0x1, s26  }
0x193: {  	p0 =	sne.s32 s11, s28  }
.Ltmp1:
0x194: {  	_ = 	snop;
	(pc) =	sbr.rel @p0 .LBB2_1-.Ltmp1, $3  }
0x195: {  	_ =	sdelay $0x1  }
0x196: {  	[sflag:s6] =	ssyncset.done $0x0  }
0x197: {  	[sflag:s6] =	ssyncadd.s32 $0xFFFFD800  }
0x198: {  	_ =	sfence.sel $0x180000  }
0x199: {  	[bflag:$0x0] =	sbarrier.arrive $0xFFFF  }
0x19a: {  	_ =	strace $0x90000047  }
0x19b: {  	s0 =	stileid.u32;
	[bflag:$0x2] =	sbarrier.arrive $0xFFFF  }
0x19c: {  	p0 =	sne.s32 s0, $0x0;
	s0 =	rddreg [dreg:$0x3]  }
0x19d: {  	s0 =	sadd.s32 @!p0 $0x100000, s0  }
0x19e: {  	[sflag:s0] =	ssyncadd.tile.s32 @!p0 $0x1;
	_ =	shalt  }
.Lfunc_end2:
_tile_overlayer_lowered:
.L_overlay_start_2:
0x19f: {  	(tag) =	ssettag $0x2  }
0x1a0: {  	s0 =	rddreg [dreg:$0x0];
	s2 =	stileid.u32  }
0x1a1: {  	s1 =	rddreg [dreg:$0x1];
	p0 =	sne.s32 s2, $0x0  }
0x1a2: {  	s3 =	rddreg [dreg:$0x2];
	[bflag:$0x3] =	sbarrier.arrive $0xFFFF;
	s2 =	simm.s32 @!p0 $0x1C0D  }
0x1a3: {  	[timem:s3], [sflag:s2] =	dma.local @!p0 [hbm:s0], s1  }
0x1a4: {  	s0 =	simm.s32 @!p0 $0xD  }
0x1a5: {  	_ =	swait.ge @!p0 [sflag:s0], s1  }
0x1a6: {  	s1 =	ssub.s32 @!p0 $0x0, s1;
	[sflag:s0] =	ssyncset.done @!p0 $0x0  }
0x1a7: {  	[sflag:s0] =	ssyncadd.s32 @!p0 s1  }
0x1a8: {  	[bflag:$0x3] =	sbarrier.arrive $0xFFFF  }
0x1a9: {  	_ =	shalt  }

</sc_bundles>
